<compile_context>
chip_gen: v7x
topology: tpu7x:2x2x1
jax: 0.10.2.dev20260603
libtpu: 0.0.44.dev20260713+nightly
codegen_flags: <defaults>
</compile_context>

<pallas_src>
import functools

import jax
import jax.numpy as jnp
from jax import lax
from jax.experimental import pallas as pl
from jax.experimental.pallas import tpu as pltpu
from jax.experimental.pallas import tpu_sc as plsc

NUM_EMB = 1_000_000
D = 16
B = 16384
L = 26
EPS = 1e-5

NC = 2
NS = 16
NW = NC * NS
ROWS_PER_W = B // NW
CB = 64
NCHUNK = ROWS_PER_W // CB
IDX_PER_CHUNK = CB * L
GATHERS = IDX_PER_CHUNK // 128

_MESH = plsc.VectorSubcoreMesh(core_axis_name="c", subcore_axis_name="s")


@functools.partial(
    pl.kernel,
    mesh=_MESH,
    compiler_params=pltpu.CompilerParams(use_tc_tiling_on_sc=False),
    out_type=jax.ShapeDtypeStruct((B * D,), jnp.float32),
    scratch_types=[
        pltpu.VMEM((IDX_PER_CHUNK,), jnp.int32),
        pltpu.VMEM((IDX_PER_CHUNK,), jnp.int32),
        pltpu.VMEM((IDX_PER_CHUNK, D), jnp.float32),
        pltpu.VMEM((IDX_PER_CHUNK, D), jnp.float32),
        pltpu.VMEM((CB * D,), jnp.float32),
        pltpu.SemaphoreType.DMA,
        pltpu.SemaphoreType.DMA,
    ],
)
def _sc_pool(xidx_hbm, table_hbm, out_hbm,
             idx_a, idx_b, rows_a, rows_b, out_v, sem_a, sem_b):
    wid = lax.axis_index("s") * NC + lax.axis_index("c")

    def fire(c, idx_v, rows_v, sem):
        idx_base = (wid * NCHUNK + c) * IDX_PER_CHUNK
        pltpu.sync_copy(xidx_hbm.at[pl.ds(idx_base, IDX_PER_CHUNK)], idx_v)
        for j in range(GATHERS):
            pltpu.async_copy(
                table_hbm.at[idx_v.at[pl.ds(j * 128, 128)]],
                rows_v.at[pl.ds(j * 128, 128)],
                sem,
            )

    def drain(idx_v, rows_v, sem):
        for j in range(GATHERS):
            pltpu.make_async_copy(
                table_hbm.at[idx_v.at[pl.ds(j * 128, 128)]],
                rows_v.at[pl.ds(j * 128, 128)],
                sem,
            ).wait()

    def compute(c, rows_v):
        def row_body(r, rcarry):
            base = r * L
            acc = rows_v[base]
            for l in range(1, L):
                acc = acc + rows_v[base + l]
            out_v[pl.ds(r * D, D)] = acc
            return rcarry

        lax.fori_loop(0, CB, row_body, 0)
        out_base = (wid * NCHUNK + c) * (CB * D)
        pltpu.sync_copy(out_v, out_hbm.at[pl.ds(out_base, CB * D)])

    fire(0, idx_a, rows_a, sem_a)

    def pair_body(g, carry):
        c0 = 2 * g
        fire(c0 + 1, idx_b, rows_b, sem_b)
        drain(idx_a, rows_a, sem_a)
        compute(c0, rows_a)

        @pl.when(c0 + 2 < NCHUNK)
        def _prefetch_even():
            fire(c0 + 2, idx_a, rows_a, sem_a)

        drain(idx_b, rows_b, sem_b)
        compute(c0 + 1, rows_b)
        return carry

    lax.fori_loop(0, NCHUNK // 2, pair_body, 0)


def _ln_body(s_ref, gam_ref, bet_ref, o_ref):
    x = s_ref[...]
    mean = jnp.mean(x, axis=-1, keepdims=True)
    xc = x - mean
    var = jnp.mean(xc * xc, axis=-1, keepdims=True)
    inv = lax.rsqrt(var + EPS)
    o_ref[...] = xc * inv * gam_ref[...] + bet_ref[...]


def _layer_norm(sums, gamma, beta):
    return pl.pallas_call(
        _ln_body,
        out_shape=jax.ShapeDtypeStruct((B, D), jnp.float32),
    )(sums, gamma.reshape(1, D), beta.reshape(1, D))


def kernel(x_idx, table, gamma, beta):
    xflat = x_idx.astype(jnp.int32).reshape(B * L)
    sums = _sc_pool(xflat, table).reshape(B, D)
    return _layer_norm(sums, gamma, beta)

# --- scband reference (transcript-rebuilt; emitter-appended) ---
"""Pipeline reference for scband-multi-hot-embedding-sum-25159918420398 (READ-ONLY COPY).

The authoritative reference and input builder live on the scoring server;
editing this copy changes nothing except your own understanding.
"""

import jax, jax.numpy as jnp
import numpy as np

NUM_EMBEDDINGS = 1000000
EMBED_DIM = 16
BATCH = 16384
NUM_HOT = 26
EPS = 1e-5


def setup_inputs(seed: int = 0) -> dict:
    key = jax.random.key(seed)
    k1, k2 = jax.random.split(key)
    x_idx = jax.random.randint(k1, (BATCH, NUM_HOT), 0, NUM_EMBEDDINGS, dtype=jnp.int64 if jax.config.jax_enable_x64 else jnp.int32)
    table = jax.random.normal(k2, (NUM_EMBEDDINGS, EMBED_DIM), dtype=jnp.float32)
    table = table.at[0].set(0.0)  # padding_idx=0
    gamma = jnp.ones((EMBED_DIM,), dtype=jnp.float32)
    beta = jnp.zeros((EMBED_DIM,), dtype=jnp.float32)
    return {"x_idx": x_idx, "table": table, "gamma": gamma, "beta": beta}


def reference(x_idx, table, gamma, beta):
    # embedding lookup with padding_idx=0 semantics (row 0 contributes zeros)
    emb = jnp.take(table, x_idx, axis=0)  # [B, L, D]
    pad_mask = (x_idx != 0)[..., None].astype(emb.dtype)
    emb = emb * pad_mask
    sum_emb = emb.sum(axis=1)  # [B, D]
    # LayerNorm over last dim
    mean = sum_emb.mean(axis=-1, keepdims=True)
    var = jnp.mean((sum_emb - mean) ** 2, axis=-1, keepdims=True)
    normed = (sum_emb - mean) / jnp.sqrt(var + EPS)
    return normed * gamma + beta

if __name__ == "__main__":
    import jax
    _d = setup_inputs()
    print(jax.jit(kernel)(*tuple(_d.values())))

</pallas_src>

<mosaic_0001>
#map = affine_map<(d0, d1) -> (0)>
#map1 = affine_map<(d0, d1) -> (0, 0)>
module attributes {stable_mosaic.version = 14 : i64} {
  func.func @_sc_pool(%arg0: i32, %arg1: i32, %arg2: memref<425984xi32, #tpu.memory_space<hbm>>, %arg3: memref<1000000x16xf32, #tpu.memory_space<hbm>>, %arg4: memref<262144xf32, #tpu.memory_space<hbm>>, %arg5: memref<1664xi32, #tpu.memory_space<vmem>>, %arg6: memref<1664xi32, #tpu.memory_space<vmem>>, %arg7: memref<1664x16xf32, #tpu.memory_space<vmem>>, %arg8: memref<1664x16xf32, #tpu.memory_space<vmem>>, %arg9: memref<1024xf32, #tpu.memory_space<vmem>>, %arg10: memref<!tpu.dma_semaphore, #tpu.memory_space<semaphore_mem>>, %arg11: memref<!tpu.dma_semaphore, #tpu.memory_space<semaphore_mem>>) attributes {dimension_semantics = [#tpu.dimension_semantics<core_parallel>, #tpu.dimension_semantics<subcore_parallel>], iteration_bounds = array<i64: 2, 16>, scalar_prefetch = 0 : i64, scratch_operands = 7 : i64, tpu.core_type = #tpu.core_type<sc_vector_subcore>, window_params = [{transform_indices = #map}, {transform_indices = #map1}, {transform_indices = #map}]} {
    %mul3A = arith.constant 2 : i32
    %mul3A_0 = arith.muli %arg1, %mul3A : i32
    %add3A = arith.addi %mul3A_0, %arg0 : i32
    %mul3A_1 = arith.constant 8 : i32
    %mul3A_2 = arith.muli %add3A, %mul3A_1 : i32
    %add3A_3 = arith.constant 0 : i32
    %add3A_4 = arith.addi %mul3A_2, %add3A_3 : i32
    %mul3A_5 = arith.constant 1664 : i32
    %mul3A_6 = arith.muli %add3A_4, %mul3A_5 : i32
    "tpu.region"() ({
      %run_scoped3A = tpu.sem_alloc : memref<!tpu.dma_semaphore, #tpu.memory_space<semaphore_mem>>
      %dma_start3A_115 = tpu.memref_slice %arg2[%mul3A_6] : memref<425984xi32, #tpu.memory_space<hbm>> -> memref<1664xi32, #tpu.memory_space<hbm>>
      %dma_start3A_116 = tpu.memref_slice %arg2[%mul3A_6] : memref<425984xi32, #tpu.memory_space<hbm>> -> memref<1664xi32, #tpu.memory_space<hbm>>
      tpu.enqueue_dma source(%dma_start3A_116 : memref<1664xi32, #tpu.memory_space<hbm>>) target(%arg5 : memref<1664xi32, #tpu.memory_space<vmem>>) target_semaphore(%run_scoped3A : memref<!tpu.dma_semaphore, #tpu.memory_space<semaphore_mem>>)
      %dma_wait3A = tpu.memref_slice %arg2[%mul3A_6] : memref<425984xi32, #tpu.memory_space<hbm>> -> memref<1664xi32, #tpu.memory_space<hbm>>
      %dma_wait3A_117 = tpu.memref_slice %arg2[%mul3A_6] : memref<425984xi32, #tpu.memory_space<hbm>> -> memref<1664xi32, #tpu.memory_space<hbm>>
      tpu.wait_dma2 semaphore(%run_scoped3A : memref<!tpu.dma_semaphore, #tpu.memory_space<semaphore_mem>>) src(%dma_wait3A_117 : memref<1664xi32, #tpu.memory_space<hbm>>) dst(%arg5 : memref<1664xi32, #tpu.memory_space<vmem>>)
      tpu.yield
    }) : () -> ()
    %dma_start3A = arith.constant 0 : i32
    %dma_start3A_7 = arith.constant 0 : i32
    %dma_start3A_8 = tpu.memref_slice %arg7[%dma_start3A, %dma_start3A_7] : memref<1664x16xf32, #tpu.memory_space<vmem>> -> memref<128x16xf32, #tpu.memory_space<vmem>>
    %dma_start3A_9 = arith.constant 0 : i32
    %dma_start3A_10 = tpu.memref_slice %arg5[%dma_start3A_9] : memref<1664xi32, #tpu.memory_space<vmem>> -> memref<128xi32, #tpu.memory_space<vmem>>
    %dma_start3A_11 = arith.constant 0 : i32
    %dma_start3A_12 = arith.constant 0 : i32
    %dma_start3A_13 = tpu.memref_slice %arg3[%dma_start3A_11, %dma_start3A_12] : memref<1000000x16xf32, #tpu.memory_space<hbm>> -> memref<1000000x16xf32, #tpu.memory_space<hbm>>
    tpu.enqueue_indirect_dma source(%dma_start3A_13 : memref<1000000x16xf32, #tpu.memory_space<hbm>>) target(%dma_start3A_8 : memref<128x16xf32, #tpu.memory_space<vmem>>) offsets(%dma_start3A_10 : memref<128xi32, #tpu.memory_space<vmem>>) semaphore(%arg10 : memref<!tpu.dma_semaphore, #tpu.memory_space<semaphore_mem>>)
    %dma_start3A_14 = arith.constant 128 : i32
    %dma_start3A_15 = arith.constant 0 : i32
    %dma_start3A_16 = tpu.memref_slice %arg7[%dma_start3A_14, %dma_start3A_15] : memref<1664x16xf32, #tpu.memory_space<vmem>> -> memref<128x16xf32, #tpu.memory_space<vmem>>
    %dma_start3A_17 = arith.constant 128 : i32
    %dma_start3A_18 = tpu.memref_slice %arg5[%dma_start3A_17] : memref<1664xi32, #tpu.memory_space<vmem>> -> memref<128xi32, #tpu.memory_space<vmem>>
    %dma_start3A_19 = arith.constant 0 : i32
    %dma_start3A_20 = arith.constant 0 : i32
    %dma_start3A_21 = tpu.memref_slice %arg3[%dma_start3A_19, %dma_start3A_20] : memref<1000000x16xf32, #tpu.memory_space<hbm>> -> memref<1000000x16xf32, #tpu.memory_space<hbm>>
    tpu.enqueue_indirect_dma source(%dma_start3A_21 : memref<1000000x16xf32, #tpu.memory_space<hbm>>) target(%dma_start3A_16 : memref<128x16xf32, #tpu.memory_space<vmem>>) offsets(%dma_start3A_18 : memref<128xi32, #tpu.memory_space<vmem>>) semaphore(%arg10 : memref<!tpu.dma_semaphore, #tpu.memory_space<semaphore_mem>>)
    %dma_start3A_22 = arith.constant 256 : i32
    %dma_start3A_23 = arith.constant 0 : i32
    %dma_start3A_24 = tpu.memref_slice %arg7[%dma_start3A_22, %dma_start3A_23] : memref<1664x16xf32, #tpu.memory_space<vmem>> -> memref<128x16xf32, #tpu.memory_space<vmem>>
    %dma_start3A_25 = arith.constant 256 : i32
    %dma_start3A_26 = tpu.memref_slice %arg5[%dma_start3A_25] : memref<1664xi32, #tpu.memory_space<vmem>> -> memref<128xi32, #tpu.memory_space<vmem>>
    %dma_start3A_27 = arith.constant 0 : i32
    %dma_start3A_28 = arith.constant 0 : i32
    %dma_start3A_29 = tpu.memref_slice %arg3[%dma_start3A_27, %dma_start3A_28] : memref<1000000x16xf32, #tpu.memory_space<hbm>> -> memref<1000000x16xf32, #tpu.memory_space<hbm>>
    tpu.enqueue_indirect_dma source(%dma_start3A_29 : memref<1000000x16xf32, #tpu.memory_space<hbm>>) target(%dma_start3A_24 : memref<128x16xf32, #tpu.memory_space<vmem>>) offsets(%dma_start3A_26 : memref<128xi32, #tpu.memory_space<vmem>>) semaphore(%arg10 : memref<!tpu.dma_semaphore, #tpu.memory_space<semaphore_mem>>)
    %dma_start3A_30 = arith.constant 384 : i32
    %dma_start3A_31 = arith.constant 0 : i32
    %dma_start3A_32 = tpu.memref_slice %arg7[%dma_start3A_30, %dma_start3A_31] : memref<1664x16xf32, #tpu.memory_space<vmem>> -> memref<128x16xf32, #tpu.memory_space<vmem>>
    %dma_start3A_33 = arith.constant 384 : i32
    %dma_start3A_34 = tpu.memref_slice %arg5[%dma_start3A_33] : memref<1664xi32, #tpu.memory_space<vmem>> -> memref<128xi32, #tpu.memory_space<vmem>>
    %dma_start3A_35 = arith.constant 0 : i32
    %dma_start3A_36 = arith.constant 0 : i32
    %dma_start3A_37 = tpu.memref_slice %arg3[%dma_start3A_35, %dma_start3A_36] : memref<1000000x16xf32, #tpu.memory_space<hbm>> -> memref<1000000x16xf32, #tpu.memory_space<hbm>>
    tpu.enqueue_indirect_dma source(%dma_start3A_37 : memref<1000000x16xf32, #tpu.memory_space<hbm>>) target(%dma_start3A_32 : memref<128x16xf32, #tpu.memory_space<vmem>>) offsets(%dma_start3A_34 : memref<128xi32, #tpu.memory_space<vmem>>) semaphore(%arg10 : memref<!tpu.dma_semaphore, #tpu.memory_space<semaphore_mem>>)
    %dma_start3A_38 = arith.constant 512 : i32
    %dma_start3A_39 = arith.constant 0 : i32
    %dma_start3A_40 = tpu.memref_slice %arg7[%dma_start3A_38, %dma_start3A_39] : memref<1664x16xf32, #tpu.memory_space<vmem>> -> memref<128x16xf32, #tpu.memory_space<vmem>>
    %dma_start3A_41 = arith.constant 512 : i32
    %dma_start3A_42 = tpu.memref_slice %arg5[%dma_start3A_41] : memref<1664xi32, #tpu.memory_space<vmem>> -> memref<128xi32, #tpu.memory_space<vmem>>
    %dma_start3A_43 = arith.constant 0 : i32
    %dma_start3A_44 = arith.constant 0 : i32
    %dma_start3A_45 = tpu.memref_slice %arg3[%dma_start3A_43, %dma_start3A_44] : memref<1000000x16xf32, #tpu.memory_space<hbm>> -> memref<1000000x16xf32, #tpu.memory_space<hbm>>
    tpu.enqueue_indirect_dma source(%dma_start3A_45 : memref<1000000x16xf32, #tpu.memory_space<hbm>>) target(%dma_start3A_40 : memref<128x16xf32, #tpu.memory_space<vmem>>) offsets(%dma_start3A_42 : memref<128xi32, #tpu.memory_space<vmem>>) semaphore(%arg10 : memref<!tpu.dma_semaphore, #tpu.memory_space<semaphore_mem>>)
    %dma_start3A_46 = arith.constant 640 : i32
    %dma_start3A_47 = arith.constant 0 : i32
    %dma_start3A_48 = tpu.memref_slice %arg7[%dma_start3A_46, %dma_start3A_47] : memref<1664x16xf32, #tpu.memory_space<vmem>> -> memref<128x16xf32, #tpu.memory_space<vmem>>
    %dma_start3A_49 = arith.constant 640 : i32
    %dma_start3A_50 = tpu.memref_slice %arg5[%dma_start3A_49] : memref<1664xi32, #tpu.memory_space<vmem>> -> memref<128xi32, #tpu.memory_space<vmem>>
    %dma_start3A_51 = arith.constant 0 : i32
    %dma_start3A_52 = arith.constant 0 : i32
    %dma_start3A_53 = tpu.memref_slice %arg3[%dma_start3A_51, %dma_start3A_52] : memref<1000000x16xf32, #tpu.memory_space<hbm>> -> memref<1000000x16xf32, #tpu.memory_space<hbm>>
    tpu.enqueue_indirect_dma source(%dma_start3A_53 : memref<1000000x16xf32, #tpu.memory_space<hbm>>) target(%dma_start3A_48 : memref<128x16xf32, #tpu.memory_space<vmem>>) offsets(%dma_start3A_50 : memref<128xi32, #tpu.memory_space<vmem>>) semaphore(%arg10 : memref<!tpu.dma_semaphore, #tpu.memory_space<semaphore_mem>>)
    %dma_start3A_54 = arith.constant 768 : i32
    %dma_start3A_55 = arith.constant 0 : i32
    %dma_start3A_56 = tpu.memref_slice %arg7[%dma_start3A_54, %dma_start3A_55] : memref<1664x16xf32, #tpu.memory_space<vmem>> -> memref<128x16xf32, #tpu.memory_space<vmem>>
    %dma_start3A_57 = arith.constant 768 : i32
    %dma_start3A_58 = tpu.memref_slice %arg5[%dma_start3A_57] : memref<1664xi32, #tpu.memory_space<vmem>> -> memref<128xi32, #tpu.memory_space<vmem>>
    %dma_start3A_59 = arith.constant 0 : i32
    %dma_start3A_60 = arith.constant 0 : i32
    %dma_start3A_61 = tpu.memref_slice %arg3[%dma_start3A_59, %dma_start3A_60] : memref<1000000x16xf32, #tpu.memory_space<hbm>> -> memref<1000000x16xf32, #tpu.memory_space<hbm>>
    tpu.enqueue_indirect_dma source(%dma_start3A_61 : memref<1000000x16xf32, #tpu.memory_space<hbm>>) target(%dma_start3A_56 : memref<128x16xf32, #tpu.memory_space<vmem>>) offsets(%dma_start3A_58 : memref<128xi32, #tpu.memory_space<vmem>>) semaphore(%arg10 : memref<!tpu.dma_semaphore, #tpu.memory_space<semaphore_mem>>)
    %dma_start3A_62 = arith.constant 896 : i32
    %dma_start3A_63 = arith.constant 0 : i32
    %dma_start3A_64 = tpu.memref_slice %arg7[%dma_start3A_62, %dma_start3A_63] : memref<1664x16xf32, #tpu.memory_space<vmem>> -> memref<128x16xf32, #tpu.memory_space<vmem>>
    %dma_start3A_65 = arith.constant 896 : i32
    %dma_start3A_66 = tpu.memref_slice %arg5[%dma_start3A_65] : memref<1664xi32, #tpu.memory_space<vmem>> -> memref<128xi32, #tpu.memory_space<vmem>>
    %dma_start3A_67 = arith.constant 0 : i32
    %dma_start3A_68 = arith.constant 0 : i32
    %dma_start3A_69 = tpu.memref_slice %arg3[%dma_start3A_67, %dma_start3A_68] : memref<1000000x16xf32, #tpu.memory_space<hbm>> -> memref<1000000x16xf32, #tpu.memory_space<hbm>>
    tpu.enqueue_indirect_dma source(%dma_start3A_69 : memref<1000000x16xf32, #tpu.memory_space<hbm>>) target(%dma_start3A_64 : memref<128x16xf32, #tpu.memory_space<vmem>>) offsets(%dma_start3A_66 : memref<128xi32, #tpu.memory_space<vmem>>) semaphore(%arg10 : memref<!tpu.dma_semaphore, #tpu.memory_space<semaphore_mem>>)
    %dma_start3A_70 = arith.constant 1024 : i32
    %dma_start3A_71 = arith.constant 0 : i32
    %dma_start3A_72 = tpu.memref_slice %arg7[%dma_start3A_70, %dma_start3A_71] : memref<1664x16xf32, #tpu.memory_space<vmem>> -> memref<128x16xf32, #tpu.memory_space<vmem>>
    %dma_start3A_73 = arith.constant 1024 : i32
    %dma_start3A_74 = tpu.memref_slice %arg5[%dma_start3A_73] : memref<1664xi32, #tpu.memory_space<vmem>> -> memref<128xi32, #tpu.memory_space<vmem>>
    %dma_start3A_75 = arith.constant 0 : i32
    %dma_start3A_76 = arith.constant 0 : i32
    %dma_start3A_77 = tpu.memref_slice %arg3[%dma_start3A_75, %dma_start3A_76] : memref<1000000x16xf32, #tpu.memory_space<hbm>> -> memref<1000000x16xf32, #tpu.memory_space<hbm>>
    tpu.enqueue_indirect_dma source(%dma_start3A_77 : memref<1000000x16xf32, #tpu.memory_space<hbm>>) target(%dma_start3A_72 : memref<128x16xf32, #tpu.memory_space<vmem>>) offsets(%dma_start3A_74 : memref<128xi32, #tpu.memory_space<vmem>>) semaphore(%arg10 : memref<!tpu.dma_semaphore, #tpu.memory_space<semaphore_mem>>)
    %dma_start3A_78 = arith.constant 1152 : i32
    %dma_start3A_79 = arith.constant 0 : i32
    %dma_start3A_80 = tpu.memref_slice %arg7[%dma_start3A_78, %dma_start3A_79] : memref<1664x16xf32, #tpu.memory_space<vmem>> -> memref<128x16xf32, #tpu.memory_space<vmem>>
    %dma_start3A_81 = arith.constant 1152 : i32
    %dma_start3A_82 = tpu.memref_slice %arg5[%dma_start3A_81] : memref<1664xi32, #tpu.memory_space<vmem>> -> memref<128xi32, #tpu.memory_space<vmem>>
    %dma_start3A_83 = arith.constant 0 : i32
    %dma_start3A_84 = arith.constant 0 : i32
    %dma_start3A_85 = tpu.memref_slice %arg3[%dma_start3A_83, %dma_start3A_84] : memref<1000000x16xf32, #tpu.memory_space<hbm>> -> memref<1000000x16xf32, #tpu.memory_space<hbm>>
    tpu.enqueue_indirect_dma source(%dma_start3A_85 : memref<1000000x16xf32, #tpu.memory_space<hbm>>) target(%dma_start3A_80 : memref<128x16xf32, #tpu.memory_space<vmem>>) offsets(%dma_start3A_82 : memref<128xi32, #tpu.memory_space<vmem>>) semaphore(%arg10 : memref<!tpu.dma_semaphore, #tpu.memory_space<semaphore_mem>>)
    %dma_start3A_86 = arith.constant 1280 : i32
    %dma_start3A_87 = arith.constant 0 : i32
    %dma_start3A_88 = tpu.memref_slice %arg7[%dma_start3A_86, %dma_start3A_87] : memref<1664x16xf32, #tpu.memory_space<vmem>> -> memref<128x16xf32, #tpu.memory_space<vmem>>
    %dma_start3A_89 = arith.constant 1280 : i32
    %dma_start3A_90 = tpu.memref_slice %arg5[%dma_start3A_89] : memref<1664xi32, #tpu.memory_space<vmem>> -> memref<128xi32, #tpu.memory_space<vmem>>
    %dma_start3A_91 = arith.constant 0 : i32
    %dma_start3A_92 = arith.constant 0 : i32
    %dma_start3A_93 = tpu.memref_slice %arg3[%dma_start3A_91, %dma_start3A_92] : memref<1000000x16xf32, #tpu.memory_space<hbm>> -> memref<1000000x16xf32, #tpu.memory_space<hbm>>
    tpu.enqueue_indirect_dma source(%dma_start3A_93 : memref<1000000x16xf32, #tpu.memory_space<hbm>>) target(%dma_start3A_88 : memref<128x16xf32, #tpu.memory_space<vmem>>) offsets(%dma_start3A_90 : memref<128xi32, #tpu.memory_space<vmem>>) semaphore(%arg10 : memref<!tpu.dma_semaphore, #tpu.memory_space<semaphore_mem>>)
    %dma_start3A_94 = arith.constant 1408 : i32
    %dma_start3A_95 = arith.constant 0 : i32
    %dma_start3A_96 = tpu.memref_slice %arg7[%dma_start3A_94, %dma_start3A_95] : memref<1664x16xf32, #tpu.memory_space<vmem>> -> memref<128x16xf32, #tpu.memory_space<vmem>>
    %dma_start3A_97 = arith.constant 1408 : i32
    %dma_start3A_98 = tpu.memref_slice %arg5[%dma_start3A_97] : memref<1664xi32, #tpu.memory_space<vmem>> -> memref<128xi32, #tpu.memory_space<vmem>>
    %dma_start3A_99 = arith.constant 0 : i32
    %dma_start3A_100 = arith.constant 0 : i32
    %dma_start3A_101 = tpu.memref_slice %arg3[%dma_start3A_99, %dma_start3A_100] : memref<1000000x16xf32, #tpu.memory_space<hbm>> -> memref<1000000x16xf32, #tpu.memory_space<hbm>>
    tpu.enqueue_indirect_dma source(%dma_start3A_101 : memref<1000000x16xf32, #tpu.memory_space<hbm>>) target(%dma_start3A_96 : memref<128x16xf32, #tpu.memory_space<vmem>>) offsets(%dma_start3A_98 : memref<128xi32, #tpu.memory_space<vmem>>) semaphore(%arg10 : memref<!tpu.dma_semaphore, #tpu.memory_space<semaphore_mem>>)
    %dma_start3A_102 = arith.constant 1536 : i32
    %dma_start3A_103 = arith.constant 0 : i32
    %dma_start3A_104 = tpu.memref_slice %arg7[%dma_start3A_102, %dma_start3A_103] : memref<1664x16xf32, #tpu.memory_space<vmem>> -> memref<128x16xf32, #tpu.memory_space<vmem>>
    %dma_start3A_105 = arith.constant 1536 : i32
    %dma_start3A_106 = tpu.memref_slice %arg5[%dma_start3A_105] : memref<1664xi32, #tpu.memory_space<vmem>> -> memref<128xi32, #tpu.memory_space<vmem>>
    %dma_start3A_107 = arith.constant 0 : i32
    %dma_start3A_108 = arith.constant 0 : i32
    %dma_start3A_109 = tpu.memref_slice %arg3[%dma_start3A_107, %dma_start3A_108] : memref<1000000x16xf32, #tpu.memory_space<hbm>> -> memref<1000000x16xf32, #tpu.memory_space<hbm>>
    tpu.enqueue_indirect_dma source(%dma_start3A_109 : memref<1000000x16xf32, #tpu.memory_space<hbm>>) target(%dma_start3A_104 : memref<128x16xf32, #tpu.memory_space<vmem>>) offsets(%dma_start3A_106 : memref<128xi32, #tpu.memory_space<vmem>>) semaphore(%arg10 : memref<!tpu.dma_semaphore, #tpu.memory_space<semaphore_mem>>)
    %scan3A = arith.constant 0 : i32
    %scan3A_110 = arith.constant 0 : i32
    %scan3A_111 = arith.constant 4 : i32
    %scan3A_112 = arith.addi %scan3A_110, %scan3A_111 : i32
    %scan3A_113 = arith.constant 1 : i32
    scf.for %scan3A_115 = %scan3A_110 to %scan3A_112 step %scan3A_113  : i32 {
      %mul3A_116 = arith.constant 2 : i32
      %mul3A_117 = arith.muli %mul3A_116, %scan3A_115 : i32
      %add3A_118 = arith.constant 1 : i32
      %add3A_119 = arith.addi %mul3A_117, %add3A_118 : i32
      %mul3A_120 = arith.constant 8 : i32
      %mul3A_121 = arith.muli %add3A, %mul3A_120 : i32
      %add3A_122 = arith.addi %mul3A_121, %add3A_119 : i32
      %mul3A_123 = arith.constant 1664 : i32
      %mul3A_124 = arith.muli %add3A_122, %mul3A_123 : i32
      "tpu.region"() ({
        %run_scoped3A = tpu.sem_alloc : memref<!tpu.dma_semaphore, #tpu.memory_space<semaphore_mem>>
        %dma_start3A_464 = tpu.memref_slice %arg2[%mul3A_124] : memref<425984xi32, #tpu.memory_space<hbm>> -> memref<1664xi32, #tpu.memory_space<hbm>>
        %dma_start3A_465 = tpu.memref_slice %arg2[%mul3A_124] : memref<425984xi32, #tpu.memory_space<hbm>> -> memref<1664xi32, #tpu.memory_space<hbm>>
        tpu.enqueue_dma source(%dma_start3A_465 : memref<1664xi32, #tpu.memory_space<hbm>>) target(%arg6 : memref<1664xi32, #tpu.memory_space<vmem>>) target_semaphore(%run_scoped3A : memref<!tpu.dma_semaphore, #tpu.memory_space<semaphore_mem>>)
        %dma_wait3A_466 = tpu.memref_slice %arg2[%mul3A_124] : memref<425984xi32, #tpu.memory_space<hbm>> -> memref<1664xi32, #tpu.memory_space<hbm>>
        %dma_wait3A_467 = tpu.memref_slice %arg2[%mul3A_124] : memref<425984xi32, #tpu.memory_space<hbm>> -> memref<1664xi32, #tpu.memory_space<hbm>>
        tpu.wait_dma2 semaphore(%run_scoped3A : memref<!tpu.dma_semaphore, #tpu.memory_space<semaphore_mem>>) src(%dma_wait3A_467 : memref<1664xi32, #tpu.memory_space<hbm>>) dst(%arg6 : memref<1664xi32, #tpu.memory_space<vmem>>)
        tpu.yield
      }) : () -> ()
      %dma_start3A_125 = arith.constant 0 : i32
      %dma_start3A_126 = arith.constant 0 : i32
      %dma_start3A_127 = tpu.memref_slice %arg8[%dma_start3A_125, %dma_start3A_126] : memref<1664x16xf32, #tpu.memory_space<vmem>> -> memref<128x16xf32, #tpu.memory_space<vmem>>
      %dma_start3A_128 = arith.constant 0 : i32
      %dma_start3A_129 = tpu.memref_slice %arg6[%dma_start3A_128] : memref<1664xi32, #tpu.memory_space<vmem>> -> memref<128xi32, #tpu.memory_space<vmem>>
      %dma_start3A_130 = arith.constant 0 : i32
      %dma_start3A_131 = arith.constant 0 : i32
      %dma_start3A_132 = tpu.memref_slice %arg3[%dma_start3A_130, %dma_start3A_131] : memref<1000000x16xf32, #tpu.memory_space<hbm>> -> memref<1000000x16xf32, #tpu.memory_space<hbm>>
      tpu.enqueue_indirect_dma source(%dma_start3A_132 : memref<1000000x16xf32, #tpu.memory_space<hbm>>) target(%dma_start3A_127 : memref<128x16xf32, #tpu.memory_space<vmem>>) offsets(%dma_start3A_129 : memref<128xi32, #tpu.memory_space<vmem>>) semaphore(%arg11 : memref<!tpu.dma_semaphore, #tpu.memory_space<semaphore_mem>>)
      %dma_start3A_133 = arith.constant 128 : i32
      %dma_start3A_134 = arith.constant 0 : i32
      %dma_start3A_135 = tpu.memref_slice %arg8[%dma_start3A_133, %dma_start3A_134] : memref<1664x16xf32, #tpu.memory_space<vmem>> -> memref<128x16xf32, #tpu.memory_space<vmem>>
      %dma_start3A_136 = arith.constant 128 : i32
      %dma_start3A_137 = tpu.memref_slice %arg6[%dma_start3A_136] : memref<1664xi32, #tpu.memory_space<vmem>> -> memref<128xi32, #tpu.memory_space<vmem>>
      %dma_start3A_138 = arith.constant 0 : i32
      %dma_start3A_139 = arith.constant 0 : i32
      %dma_start3A_140 = tpu.memref_slice %arg3[%dma_start3A_138, %dma_start3A_139] : memref<1000000x16xf32, #tpu.memory_space<hbm>> -> memref<1000000x16xf32, #tpu.memory_space<hbm>>
      tpu.enqueue_indirect_dma source(%dma_start3A_140 : memref<1000000x16xf32, #tpu.memory_space<hbm>>) target(%dma_start3A_135 : memref<128x16xf32, #tpu.memory_space<vmem>>) offsets(%dma_start3A_137 : memref<128xi32, #tpu.memory_space<vmem>>) semaphore(%arg11 : memref<!tpu.dma_semaphore, #tpu.memory_space<semaphore_mem>>)
      %dma_start3A_141 = arith.constant 256 : i32
      %dma_start3A_142 = arith.constant 0 : i32
      %dma_start3A_143 = tpu.memref_slice %arg8[%dma_start3A_141, %dma_start3A_142] : memref<1664x16xf32, #tpu.memory_space<vmem>> -> memref<128x16xf32, #tpu.memory_space<vmem>>
      %dma_start3A_144 = arith.constant 256 : i32
      %dma_start3A_145 = tpu.memref_slice %arg6[%dma_start3A_144] : memref<1664xi32, #tpu.memory_space<vmem>> -> memref<128xi32, #tpu.memory_space<vmem>>
      %dma_start3A_146 = arith.constant 0 : i32
      %dma_start3A_147 = arith.constant 0 : i32
      %dma_start3A_148 = tpu.memref_slice %arg3[%dma_start3A_146, %dma_start3A_147] : memref<1000000x16xf32, #tpu.memory_space<hbm>> -> memref<1000000x16xf32, #tpu.memory_space<hbm>>
      tpu.enqueue_indirect_dma source(%dma_start3A_148 : memref<1000000x16xf32, #tpu.memory_space<hbm>>) target(%dma_start3A_143 : memref<128x16xf32, #tpu.memory_space<vmem>>) offsets(%dma_start3A_145 : memref<128xi32, #tpu.memory_space<vmem>>) semaphore(%arg11 : memref<!tpu.dma_semaphore, #tpu.memory_space<semaphore_mem>>)
      %dma_start3A_149 = arith.constant 384 : i32
      %dma_start3A_150 = arith.constant 0 : i32
      %dma_start3A_151 = tpu.memref_slice %arg8[%dma_start3A_149, %dma_start3A_150] : memref<1664x16xf32, #tpu.memory_space<vmem>> -> memref<128x16xf32, #tpu.memory_space<vmem>>
      %dma_start3A_152 = arith.constant 384 : i32
      %dma_start3A_153 = tpu.memref_slice %arg6[%dma_start3A_152] : memref<1664xi32, #tpu.memory_space<vmem>> -> memref<128xi32, #tpu.memory_space<vmem>>
      %dma_start3A_154 = arith.constant 0 : i32
      %dma_start3A_155 = arith.constant 0 : i32
      %dma_start3A_156 = tpu.memref_slice %arg3[%dma_start3A_154, %dma_start3A_155] : memref<1000000x16xf32, #tpu.memory_space<hbm>> -> memref<1000000x16xf32, #tpu.memory_space<hbm>>
      tpu.enqueue_indirect_dma source(%dma_start3A_156 : memref<1000000x16xf32, #tpu.memory_space<hbm>>) target(%dma_start3A_151 : memref<128x16xf32, #tpu.memory_space<vmem>>) offsets(%dma_start3A_153 : memref<128xi32, #tpu.memory_space<vmem>>) semaphore(%arg11 : memref<!tpu.dma_semaphore, #tpu.memory_space<semaphore_mem>>)
      %dma_start3A_157 = arith.constant 512 : i32
      %dma_start3A_158 = arith.constant 0 : i32
      %dma_start3A_159 = tpu.memref_slice %arg8[%dma_start3A_157, %dma_start3A_158] : memref<1664x16xf32, #tpu.memory_space<vmem>> -> memref<128x16xf32, #tpu.memory_space<vmem>>
      %dma_start3A_160 = arith.constant 512 : i32
      %dma_start3A_161 = tpu.memref_slice %arg6[%dma_start3A_160] : memref<1664xi32, #tpu.memory_space<vmem>> -> memref<128xi32, #tpu.memory_space<vmem>>
      %dma_start3A_162 = arith.constant 0 : i32
      %dma_start3A_163 = arith.constant 0 : i32
      %dma_start3A_164 = tpu.memref_slice %arg3[%dma_start3A_162, %dma_start3A_163] : memref<1000000x16xf32, #tpu.memory_space<hbm>> -> memref<1000000x16xf32, #tpu.memory_space<hbm>>
      tpu.enqueue_indirect_dma source(%dma_start3A_164 : memref<1000000x16xf32, #tpu.memory_space<hbm>>) target(%dma_start3A_159 : memref<128x16xf32, #tpu.memory_space<vmem>>) offsets(%dma_start3A_161 : memref<128xi32, #tpu.memory_space<vmem>>) semaphore(%arg11 : memref<!tpu.dma_semaphore, #tpu.memory_space<semaphore_mem>>)
      %dma_start3A_165 = arith.constant 640 : i32
      %dma_start3A_166 = arith.constant 0 : i32
      %dma_start3A_167 = tpu.memref_slice %arg8[%dma_start3A_165, %dma_start3A_166] : memref<1664x16xf32, #tpu.memory_space<vmem>> -> memref<128x16xf32, #tpu.memory_space<vmem>>
      %dma_start3A_168 = arith.constant 640 : i32
      %dma_start3A_169 = tpu.memref_slice %arg6[%dma_start3A_168] : memref<1664xi32, #tpu.memory_space<vmem>> -> memref<128xi32, #tpu.memory_space<vmem>>
      %dma_start3A_170 = arith.constant 0 : i32
      %dma_start3A_171 = arith.constant 0 : i32
      %dma_start3A_172 = tpu.memref_slice %arg3[%dma_start3A_170, %dma_start3A_171] : memref<1000000x16xf32, #tpu.memory_space<hbm>> -> memref<1000000x16xf32, #tpu.memory_space<hbm>>
      tpu.enqueue_indirect_dma source(%dma_start3A_172 : memref<1000000x16xf32, #tpu.memory_space<hbm>>) target(%dma_start3A_167 : memref<128x16xf32, #tpu.memory_space<vmem>>) offsets(%dma_start3A_169 : memref<128xi32, #tpu.memory_space<vmem>>) semaphore(%arg11 : memref<!tpu.dma_semaphore, #tpu.memory_space<semaphore_mem>>)
      %dma_start3A_173 = arith.constant 768 : i32
      %dma_start3A_174 = arith.constant 0 : i32
      %dma_start3A_175 = tpu.memref_slice %arg8[%dma_start3A_173, %dma_start3A_174] : memref<1664x16xf32, #tpu.memory_space<vmem>> -> memref<128x16xf32, #tpu.memory_space<vmem>>
      %dma_start3A_176 = arith.constant 768 : i32
      %dma_start3A_177 = tpu.memref_slice %arg6[%dma_start3A_176] : memref<1664xi32, #tpu.memory_space<vmem>> -> memref<128xi32, #tpu.memory_space<vmem>>
      %dma_start3A_178 = arith.constant 0 : i32
      %dma_start3A_179 = arith.constant 0 : i32
      %dma_start3A_180 = tpu.memref_slice %arg3[%dma_start3A_178, %dma_start3A_179] : memref<1000000x16xf32, #tpu.memory_space<hbm>> -> memref<1000000x16xf32, #tpu.memory_space<hbm>>
      tpu.enqueue_indirect_dma source(%dma_start3A_180 : memref<1000000x16xf32, #tpu.memory_space<hbm>>) target(%dma_start3A_175 : memref<128x16xf32, #tpu.memory_space<vmem>>) offsets(%dma_start3A_177 : memref<128xi32, #tpu.memory_space<vmem>>) semaphore(%arg11 : memref<!tpu.dma_semaphore, #tpu.memory_space<semaphore_mem>>)
      %dma_start3A_181 = arith.constant 896 : i32
      %dma_start3A_182 = arith.constant 0 : i32
      %dma_start3A_183 = tpu.memref_slice %arg8[%dma_start3A_181, %dma_start3A_182] : memref<1664x16xf32, #tpu.memory_space<vmem>> -> memref<128x16xf32, #tpu.memory_space<vmem>>
      %dma_start3A_184 = arith.constant 896 : i32
      %dma_start3A_185 = tpu.memref_slice %arg6[%dma_start3A_184] : memref<1664xi32, #tpu.memory_space<vmem>> -> memref<128xi32, #tpu.memory_space<vmem>>
      %dma_start3A_186 = arith.constant 0 : i32
      %dma_start3A_187 = arith.constant 0 : i32
      %dma_start3A_188 = tpu.memref_slice %arg3[%dma_start3A_186, %dma_start3A_187] : memref<1000000x16xf32, #tpu.memory_space<hbm>> -> memref<1000000x16xf32, #tpu.memory_space<hbm>>
      tpu.enqueue_indirect_dma source(%dma_start3A_188 : memref<1000000x16xf32, #tpu.memory_space<hbm>>) target(%dma_start3A_183 : memref<128x16xf32, #tpu.memory_space<vmem>>) offsets(%dma_start3A_185 : memref<128xi32, #tpu.memory_space<vmem>>) semaphore(%arg11 : memref<!tpu.dma_semaphore, #tpu.memory_space<semaphore_mem>>)
      %dma_start3A_189 = arith.constant 1024 : i32
      %dma_start3A_190 = arith.constant 0 : i32
      %dma_start3A_191 = tpu.memref_slice %arg8[%dma_start3A_189, %dma_start3A_190] : memref<1664x16xf32, #tpu.memory_space<vmem>> -> memref<128x16xf32, #tpu.memory_space<vmem>>
      %dma_start3A_192 = arith.constant 1024 : i32
      %dma_start3A_193 = tpu.memref_slice %arg6[%dma_start3A_192] : memref<1664xi32, #tpu.memory_space<vmem>> -> memref<128xi32, #tpu.memory_space<vmem>>
      %dma_start3A_194 = arith.constant 0 : i32
      %dma_start3A_195 = arith.constant 0 : i32
      %dma_start3A_196 = tpu.memref_slice %arg3[%dma_start3A_194, %dma_start3A_195] : memref<1000000x16xf32, #tpu.memory_space<hbm>> -> memref<1000000x16xf32, #tpu.memory_space<hbm>>
      tpu.enqueue_indirect_dma source(%dma_start3A_196 : memref<1000000x16xf32, #tpu.memory_space<hbm>>) target(%dma_start3A_191 : memref<128x16xf32, #tpu.memory_space<vmem>>) offsets(%dma_start3A_193 : memref<128xi32, #tpu.memory_space<vmem>>) semaphore(%arg11 : memref<!tpu.dma_semaphore, #tpu.memory_space<semaphore_mem>>)
      %dma_start3A_197 = arith.constant 1152 : i32
      %dma_start3A_198 = arith.constant 0 : i32
      %dma_start3A_199 = tpu.memref_slice %arg8[%dma_start3A_197, %dma_start3A_198] : memref<1664x16xf32, #tpu.memory_space<vmem>> -> memref<128x16xf32, #tpu.memory_space<vmem>>
      %dma_start3A_200 = arith.constant 1152 : i32
      %dma_start3A_201 = tpu.memref_slice %arg6[%dma_start3A_200] : memref<1664xi32, #tpu.memory_space<vmem>> -> memref<128xi32, #tpu.memory_space<vmem>>
      %dma_start3A_202 = arith.constant 0 : i32
      %dma_start3A_203 = arith.constant 0 : i32
      %dma_start3A_204 = tpu.memref_slice %arg3[%dma_start3A_202, %dma_start3A_203] : memref<1000000x16xf32, #tpu.memory_space<hbm>> -> memref<1000000x16xf32, #tpu.memory_space<hbm>>
      tpu.enqueue_indirect_dma source(%dma_start3A_204 : memref<1000000x16xf32, #tpu.memory_space<hbm>>) target(%dma_start3A_199 : memref<128x16xf32, #tpu.memory_space<vmem>>) offsets(%dma_start3A_201 : memref<128xi32, #tpu.memory_space<vmem>>) semaphore(%arg11 : memref<!tpu.dma_semaphore, #tpu.memory_space<semaphore_mem>>)
      %dma_start3A_205 = arith.constant 1280 : i32
      %dma_start3A_206 = arith.constant 0 : i32
      %dma_start3A_207 = tpu.memref_slice %arg8[%dma_start3A_205, %dma_start3A_206] : memref<1664x16xf32, #tpu.memory_space<vmem>> -> memref<128x16xf32, #tpu.memory_space<vmem>>
      %dma_start3A_208 = arith.constant 1280 : i32
      %dma_start3A_209 = tpu.memref_slice %arg6[%dma_start3A_208] : memref<1664xi32, #tpu.memory_space<vmem>> -> memref<128xi32, #tpu.memory_space<vmem>>
      %dma_start3A_210 = arith.constant 0 : i32
      %dma_start3A_211 = arith.constant 0 : i32
      %dma_start3A_212 = tpu.memref_slice %arg3[%dma_start3A_210, %dma_start3A_211] : memref<1000000x16xf32, #tpu.memory_space<hbm>> -> memref<1000000x16xf32, #tpu.memory_space<hbm>>
      tpu.enqueue_indirect_dma source(%dma_start3A_212 : memref<1000000x16xf32, #tpu.memory_space<hbm>>) target(%dma_start3A_207 : memref<128x16xf32, #tpu.memory_space<vmem>>) offsets(%dma_start3A_209 : memref<128xi32, #tpu.memory_space<vmem>>) semaphore(%arg11 : memref<!tpu.dma_semaphore, #tpu.memory_space<semaphore_mem>>)
      %dma_start3A_213 = arith.constant 1408 : i32
      %dma_start3A_214 = arith.constant 0 : i32
      %dma_start3A_215 = tpu.memref_slice %arg8[%dma_start3A_213, %dma_start3A_214] : memref<1664x16xf32, #tpu.memory_space<vmem>> -> memref<128x16xf32, #tpu.memory_space<vmem>>
      %dma_start3A_216 = arith.constant 1408 : i32
      %dma_start3A_217 = tpu.memref_slice %arg6[%dma_start3A_216] : memref<1664xi32, #tpu.memory_space<vmem>> -> memref<128xi32, #tpu.memory_space<vmem>>
      %dma_start3A_218 = arith.constant 0 : i32
      %dma_start3A_219 = arith.constant 0 : i32
      %dma_start3A_220 = tpu.memref_slice %arg3[%dma_start3A_218, %dma_start3A_219] : memref<1000000x16xf32, #tpu.memory_space<hbm>> -> memref<1000000x16xf32, #tpu.memory_space<hbm>>
      tpu.enqueue_indirect_dma source(%dma_start3A_220 : memref<1000000x16xf32, #tpu.memory_space<hbm>>) target(%dma_start3A_215 : memref<128x16xf32, #tpu.memory_space<vmem>>) offsets(%dma_start3A_217 : memref<128xi32, #tpu.memory_space<vmem>>) semaphore(%arg11 : memref<!tpu.dma_semaphore, #tpu.memory_space<semaphore_mem>>)
      %dma_start3A_221 = arith.constant 1536 : i32
      %dma_start3A_222 = arith.constant 0 : i32
      %dma_start3A_223 = tpu.memref_slice %arg8[%dma_start3A_221, %dma_start3A_222] : memref<1664x16xf32, #tpu.memory_space<vmem>> -> memref<128x16xf32, #tpu.memory_space<vmem>>
      %dma_start3A_224 = arith.constant 1536 : i32
      %dma_start3A_225 = tpu.memref_slice %arg6[%dma_start3A_224] : memref<1664xi32, #tpu.memory_space<vmem>> -> memref<128xi32, #tpu.memory_space<vmem>>
      %dma_start3A_226 = arith.constant 0 : i32
      %dma_start3A_227 = arith.constant 0 : i32
      %dma_start3A_228 = tpu.memref_slice %arg3[%dma_start3A_226, %dma_start3A_227] : memref<1000000x16xf32, #tpu.memory_space<hbm>> -> memref<1000000x16xf32, #tpu.memory_space<hbm>>
      tpu.enqueue_indirect_dma source(%dma_start3A_228 : memref<1000000x16xf32, #tpu.memory_space<hbm>>) target(%dma_start3A_223 : memref<128x16xf32, #tpu.memory_space<vmem>>) offsets(%dma_start3A_225 : memref<128xi32, #tpu.memory_space<vmem>>) semaphore(%arg11 : memref<!tpu.dma_semaphore, #tpu.memory_space<semaphore_mem>>)
      %dma_wait3A = arith.constant 0 : i32
      %dma_wait3A_229 = arith.constant 0 : i32
      %dma_wait3A_230 = tpu.memref_slice %arg7[%dma_wait3A, %dma_wait3A_229] : memref<1664x16xf32, #tpu.memory_space<vmem>> -> memref<128x16xf32, #tpu.memory_space<vmem>>
      %dma_wait3A_231 = arith.constant 0 : i32
      %dma_wait3A_232 = tpu.memref_slice %arg5[%dma_wait3A_231] : memref<1664xi32, #tpu.memory_space<vmem>> -> memref<128xi32, #tpu.memory_space<vmem>>
      %dma_wait3A_233 = arith.constant 0 : i32
      %dma_wait3A_234 = arith.constant 0 : i32
      %dma_wait3A_235 = tpu.memref_slice %arg3[%dma_wait3A_233, %dma_wait3A_234] : memref<1000000x16xf32, #tpu.memory_space<hbm>> -> memref<1000000x16xf32, #tpu.memory_space<hbm>>
      tpu.wait_indirect_dma semaphore(%arg10 : memref<!tpu.dma_semaphore, #tpu.memory_space<semaphore_mem>>) src(%dma_wait3A_235 : memref<1000000x16xf32, #tpu.memory_space<hbm>>) dst(%dma_wait3A_230 : memref<128x16xf32, #tpu.memory_space<vmem>>)
      %dma_wait3A_236 = arith.constant 128 : i32
      %dma_wait3A_237 = arith.constant 0 : i32
      %dma_wait3A_238 = tpu.memref_slice %arg7[%dma_wait3A_236, %dma_wait3A_237] : memref<1664x16xf32, #tpu.memory_space<vmem>> -> memref<128x16xf32, #tpu.memory_space<vmem>>
      %dma_wait3A_239 = arith.constant 128 : i32
      %dma_wait3A_240 = tpu.memref_slice %arg5[%dma_wait3A_239] : memref<1664xi32, #tpu.memory_space<vmem>> -> memref<128xi32, #tpu.memory_space<vmem>>
      %dma_wait3A_241 = arith.constant 0 : i32
      %dma_wait3A_242 = arith.constant 0 : i32
      %dma_wait3A_243 = tpu.memref_slice %arg3[%dma_wait3A_241, %dma_wait3A_242] : memref<1000000x16xf32, #tpu.memory_space<hbm>> -> memref<1000000x16xf32, #tpu.memory_space<hbm>>
      tpu.wait_indirect_dma semaphore(%arg10 : memref<!tpu.dma_semaphore, #tpu.memory_space<semaphore_mem>>) src(%dma_wait3A_243 : memref<1000000x16xf32, #tpu.memory_space<hbm>>) dst(%dma_wait3A_238 : memref<128x16xf32, #tpu.memory_space<vmem>>)
      %dma_wait3A_244 = arith.constant 256 : i32
      %dma_wait3A_245 = arith.constant 0 : i32
      %dma_wait3A_246 = tpu.memref_slice %arg7[%dma_wait3A_244, %dma_wait3A_245] : memref<1664x16xf32, #tpu.memory_space<vmem>> -> memref<128x16xf32, #tpu.memory_space<vmem>>
      %dma_wait3A_247 = arith.constant 256 : i32
      %dma_wait3A_248 = tpu.memref_slice %arg5[%dma_wait3A_247] : memref<1664xi32, #tpu.memory_space<vmem>> -> memref<128xi32, #tpu.memory_space<vmem>>
      %dma_wait3A_249 = arith.constant 0 : i32
      %dma_wait3A_250 = arith.constant 0 : i32
      %dma_wait3A_251 = tpu.memref_slice %arg3[%dma_wait3A_249, %dma_wait3A_250] : memref<1000000x16xf32, #tpu.memory_space<hbm>> -> memref<1000000x16xf32, #tpu.memory_space<hbm>>
      tpu.wait_indirect_dma semaphore(%arg10 : memref<!tpu.dma_semaphore, #tpu.memory_space<semaphore_mem>>) src(%dma_wait3A_251 : memref<1000000x16xf32, #tpu.memory_space<hbm>>) dst(%dma_wait3A_246 : memref<128x16xf32, #tpu.memory_space<vmem>>)
      %dma_wait3A_252 = arith.constant 384 : i32
      %dma_wait3A_253 = arith.constant 0 : i32
      %dma_wait3A_254 = tpu.memref_slice %arg7[%dma_wait3A_252, %dma_wait3A_253] : memref<1664x16xf32, #tpu.memory_space<vmem>> -> memref<128x16xf32, #tpu.memory_space<vmem>>
      %dma_wait3A_255 = arith.constant 384 : i32
      %dma_wait3A_256 = tpu.memref_slice %arg5[%dma_wait3A_255] : memref<1664xi32, #tpu.memory_space<vmem>> -> memref<128xi32, #tpu.memory_space<vmem>>
      %dma_wait3A_257 = arith.constant 0 : i32
      %dma_wait3A_258 = arith.constant 0 : i32
      %dma_wait3A_259 = tpu.memref_slice %arg3[%dma_wait3A_257, %dma_wait3A_258] : memref<1000000x16xf32, #tpu.memory_space<hbm>> -> memref<1000000x16xf32, #tpu.memory_space<hbm>>
      tpu.wait_indirect_dma semaphore(%arg10 : memref<!tpu.dma_semaphore, #tpu.memory_space<semaphore_mem>>) src(%dma_wait3A_259 : memref<1000000x16xf32, #tpu.memory_space<hbm>>) dst(%dma_wait3A_254 : memref<128x16xf32, #tpu.memory_space<vmem>>)
      %dma_wait3A_260 = arith.constant 512 : i32
      %dma_wait3A_261 = arith.constant 0 : i32
      %dma_wait3A_262 = tpu.memref_slice %arg7[%dma_wait3A_260, %dma_wait3A_261] : memref<1664x16xf32, #tpu.memory_space<vmem>> -> memref<128x16xf32, #tpu.memory_space<vmem>>
      %dma_wait3A_263 = arith.constant 512 : i32
      %dma_wait3A_264 = tpu.memref_slice %arg5[%dma_wait3A_263] : memref<1664xi32, #tpu.memory_space<vmem>> -> memref<128xi32, #tpu.memory_space<vmem>>
      %dma_wait3A_265 = arith.constant 0 : i32
      %dma_wait3A_266 = arith.constant 0 : i32
      %dma_wait3A_267 = tpu.memref_slice %arg3[%dma_wait3A_265, %dma_wait3A_266] : memref<1000000x16xf32, #tpu.memory_space<hbm>> -> memref<1000000x16xf32, #tpu.memory_space<hbm>>
      tpu.wait_indirect_dma semaphore(%arg10 : memref<!tpu.dma_semaphore, #tpu.memory_space<semaphore_mem>>) src(%dma_wait3A_267 : memref<1000000x16xf32, #tpu.memory_space<hbm>>) dst(%dma_wait3A_262 : memref<128x16xf32, #tpu.memory_space<vmem>>)
      %dma_wait3A_268 = arith.constant 640 : i32
      %dma_wait3A_269 = arith.constant 0 : i32
      %dma_wait3A_270 = tpu.memref_slice %arg7[%dma_wait3A_268, %dma_wait3A_269] : memref<1664x16xf32, #tpu.memory_space<vmem>> -> memref<128x16xf32, #tpu.memory_space<vmem>>
      %dma_wait3A_271 = arith.constant 640 : i32
      %dma_wait3A_272 = tpu.memref_slice %arg5[%dma_wait3A_271] : memref<1664xi32, #tpu.memory_space<vmem>> -> memref<128xi32, #tpu.memory_space<vmem>>
      %dma_wait3A_273 = arith.constant 0 : i32
      %dma_wait3A_274 = arith.constant 0 : i32
      %dma_wait3A_275 = tpu.memref_slice %arg3[%dma_wait3A_273, %dma_wait3A_274] : memref<1000000x16xf32, #tpu.memory_space<hbm>> -> memref<1000000x16xf32, #tpu.memory_space<hbm>>
      tpu.wait_indirect_dma semaphore(%arg10 : memref<!tpu.dma_semaphore, #tpu.memory_space<semaphore_mem>>) src(%dma_wait3A_275 : memref<1000000x16xf32, #tpu.memory_space<hbm>>) dst(%dma_wait3A_270 : memref<128x16xf32, #tpu.memory_space<vmem>>)
      %dma_wait3A_276 = arith.constant 768 : i32
      %dma_wait3A_277 = arith.constant 0 : i32
      %dma_wait3A_278 = tpu.memref_slice %arg7[%dma_wait3A_276, %dma_wait3A_277] : memref<1664x16xf32, #tpu.memory_space<vmem>> -> memref<128x16xf32, #tpu.memory_space<vmem>>
      %dma_wait3A_279 = arith.constant 768 : i32
      %dma_wait3A_280 = tpu.memref_slice %arg5[%dma_wait3A_279] : memref<1664xi32, #tpu.memory_space<vmem>> -> memref<128xi32, #tpu.memory_space<vmem>>
      %dma_wait3A_281 = arith.constant 0 : i32
      %dma_wait3A_282 = arith.constant 0 : i32
      %dma_wait3A_283 = tpu.memref_slice %arg3[%dma_wait3A_281, %dma_wait3A_282] : memref<1000000x16xf32, #tpu.memory_space<hbm>> -> memref<1000000x16xf32, #tpu.memory_space<hbm>>
      tpu.wait_indirect_dma semaphore(%arg10 : memref<!tpu.dma_semaphore, #tpu.memory_space<semaphore_mem>>) src(%dma_wait3A_283 : memref<1000000x16xf32, #tpu.memory_space<hbm>>) dst(%dma_wait3A_278 : memref<128x16xf32, #tpu.memory_space<vmem>>)
      %dma_wait3A_284 = arith.constant 896 : i32
      %dma_wait3A_285 = arith.constant 0 : i32
      %dma_wait3A_286 = tpu.memref_slice %arg7[%dma_wait3A_284, %dma_wait3A_285] : memref<1664x16xf32, #tpu.memory_space<vmem>> -> memref<128x16xf32, #tpu.memory_space<vmem>>
      %dma_wait3A_287 = arith.constant 896 : i32
      %dma_wait3A_288 = tpu.memref_slice %arg5[%dma_wait3A_287] : memref<1664xi32, #tpu.memory_space<vmem>> -> memref<128xi32, #tpu.memory_space<vmem>>
      %dma_wait3A_289 = arith.constant 0 : i32
      %dma_wait3A_290 = arith.constant 0 : i32
      %dma_wait3A_291 = tpu.memref_slice %arg3[%dma_wait3A_289, %dma_wait3A_290] : memref<1000000x16xf32, #tpu.memory_space<hbm>> -> memref<1000000x16xf32, #tpu.memory_space<hbm>>
      tpu.wait_indirect_dma semaphore(%arg10 : memref<!tpu.dma_semaphore, #tpu.memory_space<semaphore_mem>>) src(%dma_wait3A_291 : memref<1000000x16xf32, #tpu.memory_space<hbm>>) dst(%dma_wait3A_286 : memref<128x16xf32, #tpu.memory_space<vmem>>)
      %dma_wait3A_292 = arith.constant 1024 : i32
      %dma_wait3A_293 = arith.constant 0 : i32
      %dma_wait3A_294 = tpu.memref_slice %arg7[%dma_wait3A_292, %dma_wait3A_293] : memref<1664x16xf32, #tpu.memory_space<vmem>> -> memref<128x16xf32, #tpu.memory_space<vmem>>
      %dma_wait3A_295 = arith.constant 1024 : i32
      %dma_wait3A_296 = tpu.memref_slice %arg5[%dma_wait3A_295] : memref<1664xi32, #tpu.memory_space<vmem>> -> memref<128xi32, #tpu.memory_space<vmem>>
      %dma_wait3A_297 = arith.constant 0 : i32
      %dma_wait3A_298 = arith.constant 0 : i32
      %dma_wait3A_299 = tpu.memref_slice %arg3[%dma_wait3A_297, %dma_wait3A_298] : memref<1000000x16xf32, #tpu.memory_space<hbm>> -> memref<1000000x16xf32, #tpu.memory_space<hbm>>
      tpu.wait_indirect_dma semaphore(%arg10 : memref<!tpu.dma_semaphore, #tpu.memory_space<semaphore_mem>>) src(%dma_wait3A_299 : memref<1000000x16xf32, #tpu.memory_space<hbm>>) dst(%dma_wait3A_294 : memref<128x16xf32, #tpu.memory_space<vmem>>)
      %dma_wait3A_300 = arith.constant 1152 : i32
      %dma_wait3A_301 = arith.constant 0 : i32
      %dma_wait3A_302 = tpu.memref_slice %arg7[%dma_wait3A_300, %dma_wait3A_301] : memref<1664x16xf32, #tpu.memory_space<vmem>> -> memref<128x16xf32, #tpu.memory_space<vmem>>
      %dma_wait3A_303 = arith.constant 1152 : i32
      %dma_wait3A_304 = tpu.memref_slice %arg5[%dma_wait3A_303] : memref<1664xi32, #tpu.memory_space<vmem>> -> memref<128xi32, #tpu.memory_space<vmem>>
      %dma_wait3A_305 = arith.constant 0 : i32
      %dma_wait3A_306 = arith.constant 0 : i32
      %dma_wait3A_307 = tpu.memref_slice %arg3[%dma_wait3A_305, %dma_wait3A_306] : memref<1000000x16xf32, #tpu.memory_space<hbm>> -> memref<1000000x16xf32, #tpu.memory_space<hbm>>
      tpu.wait_indirect_dma semaphore(%arg10 : memref<!tpu.dma_semaphore, #tpu.memory_space<semaphore_mem>>) src(%dma_wait3A_307 : memref<1000000x16xf32, #tpu.memory_space<hbm>>) dst(%dma_wait3A_302 : memref<128x16xf32, #tpu.memory_space<vmem>>)
      %dma_wait3A_308 = arith.constant 1280 : i32
      %dma_wait3A_309 = arith.constant 0 : i32
      %dma_wait3A_310 = tpu.memref_slice %arg7[%dma_wait3A_308, %dma_wait3A_309] : memref<1664x16xf32, #tpu.memory_space<vmem>> -> memref<128x16xf32, #tpu.memory_space<vmem>>
      %dma_wait3A_311 = arith.constant 1280 : i32
      %dma_wait3A_312 = tpu.memref_slice %arg5[%dma_wait3A_311] : memref<1664xi32, #tpu.memory_space<vmem>> -> memref<128xi32, #tpu.memory_space<vmem>>
      %dma_wait3A_313 = arith.constant 0 : i32
      %dma_wait3A_314 = arith.constant 0 : i32
      %dma_wait3A_315 = tpu.memref_slice %arg3[%dma_wait3A_313, %dma_wait3A_314] : memref<1000000x16xf32, #tpu.memory_space<hbm>> -> memref<1000000x16xf32, #tpu.memory_space<hbm>>
      tpu.wait_indirect_dma semaphore(%arg10 : memref<!tpu.dma_semaphore, #tpu.memory_space<semaphore_mem>>) src(%dma_wait3A_315 : memref<1000000x16xf32, #tpu.memory_space<hbm>>) dst(%dma_wait3A_310 : memref<128x16xf32, #tpu.memory_space<vmem>>)
      %dma_wait3A_316 = arith.constant 1408 : i32
      %dma_wait3A_317 = arith.constant 0 : i32
      %dma_wait3A_318 = tpu.memref_slice %arg7[%dma_wait3A_316, %dma_wait3A_317] : memref<1664x16xf32, #tpu.memory_space<vmem>> -> memref<128x16xf32, #tpu.memory_space<vmem>>
      %dma_wait3A_319 = arith.constant 1408 : i32
      %dma_wait3A_320 = tpu.memref_slice %arg5[%dma_wait3A_319] : memref<1664xi32, #tpu.memory_space<vmem>> -> memref<128xi32, #tpu.memory_space<vmem>>
      %dma_wait3A_321 = arith.constant 0 : i32
      %dma_wait3A_322 = arith.constant 0 : i32
      %dma_wait3A_323 = tpu.memref_slice %arg3[%dma_wait3A_321, %dma_wait3A_322] : memref<1000000x16xf32, #tpu.memory_space<hbm>> -> memref<1000000x16xf32, #tpu.memory_space<hbm>>
      tpu.wait_indirect_dma semaphore(%arg10 : memref<!tpu.dma_semaphore, #tpu.memory_space<semaphore_mem>>) src(%dma_wait3A_323 : memref<1000000x16xf32, #tpu.memory_space<hbm>>) dst(%dma_wait3A_318 : memref<128x16xf32, #tpu.memory_space<vmem>>)
      %dma_wait3A_324 = arith.constant 1536 : i32
      %dma_wait3A_325 = arith.constant 0 : i32
      %dma_wait3A_326 = tpu.memref_slice %arg7[%dma_wait3A_324, %dma_wait3A_325] : memref<1664x16xf32, #tpu.memory_space<vmem>> -> memref<128x16xf32, #tpu.memory_space<vmem>>
      %dma_wait3A_327 = arith.constant 1536 : i32
      %dma_wait3A_328 = tpu.memref_slice %arg5[%dma_wait3A_327] : memref<1664xi32, #tpu.memory_space<vmem>> -> memref<128xi32, #tpu.memory_space<vmem>>
      %dma_wait3A_329 = arith.constant 0 : i32
      %dma_wait3A_330 = arith.constant 0 : i32
      %dma_wait3A_331 = tpu.memref_slice %arg3[%dma_wait3A_329, %dma_wait3A_330] : memref<1000000x16xf32, #tpu.memory_space<hbm>> -> memref<1000000x16xf32, #tpu.memory_space<hbm>>
      tpu.wait_indirect_dma semaphore(%arg10 : memref<!tpu.dma_semaphore, #tpu.memory_space<semaphore_mem>>) src(%dma_wait3A_331 : memref<1000000x16xf32, #tpu.memory_space<hbm>>) dst(%dma_wait3A_326 : memref<128x16xf32, #tpu.memory_space<vmem>>)
      %scan3A_332 = arith.constant 0 : i32
      %scan3A_333 = arith.constant 0 : i32
      %scan3A_334 = arith.constant 64 : i32
      %scan3A_335 = arith.addi %scan3A_333, %scan3A_334 : i32
      %scan3A_336 = arith.constant 1 : i32
      scf.for %scan3A_464 = %scan3A_333 to %scan3A_335 step %scan3A_336  : i32 {
        %mul3A_465 = arith.constant 26 : i32
        %mul3A_466 = arith.muli %scan3A_464, %mul3A_465 : i32
        %get3A = arith.index_cast %mul3A_466 : i32 to index
        %get3A_467 = arith.constant 0 : index
        %get3A_468 = tpu.vector_load %arg7[%get3A, %get3A_467] {strides = array<i32>} : memref<1664x16xf32, #tpu.memory_space<vmem>>, vector<1x16xf32>,
        %get3A_469 = vector.shape_cast %get3A_468 : vector<1x16xf32> to vector<16xf32>
        %add3A_470 = arith.constant 1 : i32
        %add3A_471 = arith.addi %mul3A_466, %add3A_470 : i32
        %get3A_472 = arith.index_cast %add3A_471 : i32 to index
        %get3A_473 = arith.constant 0 : index
        %get3A_474 = tpu.vector_load %arg7[%get3A_472, %get3A_473] {strides = array<i32>} : memref<1664x16xf32, #tpu.memory_space<vmem>>, vector<1x16xf32>,
        %get3A_475 = vector.shape_cast %get3A_474 : vector<1x16xf32> to vector<16xf32>
        %add3A_476 = arith.addf %get3A_469, %get3A_475 : vector<16xf32>
        %add3A_477 = arith.constant 2 : i32
        %add3A_478 = arith.addi %mul3A_466, %add3A_477 : i32
        %get3A_479 = arith.index_cast %add3A_478 : i32 to index
        %get3A_480 = arith.constant 0 : index
        %get3A_481 = tpu.vector_load %arg7[%get3A_479, %get3A_480] {strides = array<i32>} : memref<1664x16xf32, #tpu.memory_space<vmem>>, vector<1x16xf32>,
        %get3A_482 = vector.shape_cast %get3A_481 : vector<1x16xf32> to vector<16xf32>
        %add3A_483 = arith.addf %add3A_476, %get3A_482 : vector<16xf32>
        %add3A_484 = arith.constant 3 : i32
        %add3A_485 = arith.addi %mul3A_466, %add3A_484 : i32
        %get3A_486 = arith.index_cast %add3A_485 : i32 to index
        %get3A_487 = arith.constant 0 : index
        %get3A_488 = tpu.vector_load %arg7[%get3A_486, %get3A_487] {strides = array<i32>} : memref<1664x16xf32, #tpu.memory_space<vmem>>, vector<1x16xf32>,
        %get3A_489 = vector.shape_cast %get3A_488 : vector<1x16xf32> to vector<16xf32>
        %add3A_490 = arith.addf %add3A_483, %get3A_489 : vector<16xf32>
        %add3A_491 = arith.constant 4 : i32
        %add3A_492 = arith.addi %mul3A_466, %add3A_491 : i32
        %get3A_493 = arith.index_cast %add3A_492 : i32 to index
        %get3A_494 = arith.constant 0 : index
        %get3A_495 = tpu.vector_load %arg7[%get3A_493, %get3A_494] {strides = array<i32>} : memref<1664x16xf32, #tpu.memory_space<vmem>>, vector<1x16xf32>,
        %get3A_496 = vector.shape_cast %get3A_495 : vector<1x16xf32> to vector<16xf32>
        %add3A_497 = arith.addf %add3A_490, %get3A_496 : vector<16xf32>
        %add3A_498 = arith.constant 5 : i32
        %add3A_499 = arith.addi %mul3A_466, %add3A_498 : i32
        %get3A_500 = arith.index_cast %add3A_499 : i32 to index
        %get3A_501 = arith.constant 0 : index
        %get3A_502 = tpu.vector_load %arg7[%get3A_500, %get3A_501] {strides = array<i32>} : memref<1664x16xf32, #tpu.memory_space<vmem>>, vector<1x16xf32>,
        %get3A_503 = vector.shape_cast %get3A_502 : vector<1x16xf32> to vector<16xf32>
        %add3A_504 = arith.addf %add3A_497, %get3A_503 : vector<16xf32>
        %add3A_505 = arith.constant 6 : i32
        %add3A_506 = arith.addi %mul3A_466, %add3A_505 : i32
        %get3A_507 = arith.index_cast %add3A_506 : i32 to index
        %get3A_508 = arith.constant 0 : index
        %get3A_509 = tpu.vector_load %arg7[%get3A_507, %get3A_508] {strides = array<i32>} : memref<1664x16xf32, #tpu.memory_space<vmem>>, vector<1x16xf32>,
        %get3A_510 = vector.shape_cast %get3A_509 : vector<1x16xf32> to vector<16xf32>
        %add3A_511 = arith.addf %add3A_504, %get3A_510 : vector<16xf32>
        %add3A_512 = arith.constant 7 : i32
        %add3A_513 = arith.addi %mul3A_466, %add3A_512 : i32
        %get3A_514 = arith.index_cast %add3A_513 : i32 to index
        %get3A_515 = arith.constant 0 : index
        %get3A_516 = tpu.vector_load %arg7[%get3A_514, %get3A_515] {strides = array<i32>} : memref<1664x16xf32, #tpu.memory_space<vmem>>, vector<1x16xf32>,
        %get3A_517 = vector.shape_cast %get3A_516 : vector<1x16xf32> to vector<16xf32>
        %add3A_518 = arith.addf %add3A_511, %get3A_517 : vector<16xf32>
        %add3A_519 = arith.constant 8 : i32
        %add3A_520 = arith.addi %mul3A_466, %add3A_519 : i32
        %get3A_521 = arith.index_cast %add3A_520 : i32 to index
        %get3A_522 = arith.constant 0 : index
        %get3A_523 = tpu.vector_load %arg7[%get3A_521, %get3A_522] {strides = array<i32>} : memref<1664x16xf32, #tpu.memory_space<vmem>>, vector<1x16xf32>,
        %get3A_524 = vector.shape_cast %get3A_523 : vector<1x16xf32> to vector<16xf32>
        %add3A_525 = arith.addf %add3A_518, %get3A_524 : vector<16xf32>
        %add3A_526 = arith.constant 9 : i32
        %add3A_527 = arith.addi %mul3A_466, %add3A_526 : i32
        %get3A_528 = arith.index_cast %add3A_527 : i32 to index
        %get3A_529 = arith.constant 0 : index
        %get3A_530 = tpu.vector_load %arg7[%get3A_528, %get3A_529] {strides = array<i32>} : memref<1664x16xf32, #tpu.memory_space<vmem>>, vector<1x16xf32>,
        %get3A_531 = vector.shape_cast %get3A_530 : vector<1x16xf32> to vector<16xf32>
        %add3A_532 = arith.addf %add3A_525, %get3A_531 : vector<16xf32>
        %add3A_533 = arith.constant 10 : i32
        %add3A_534 = arith.addi %mul3A_466, %add3A_533 : i32
        %get3A_535 = arith.index_cast %add3A_534 : i32 to index
        %get3A_536 = arith.constant 0 : index
        %get3A_537 = tpu.vector_load %arg7[%get3A_535, %get3A_536] {strides = array<i32>} : memref<1664x16xf32, #tpu.memory_space<vmem>>, vector<1x16xf32>,
        %get3A_538 = vector.shape_cast %get3A_537 : vector<1x16xf32> to vector<16xf32>
        %add3A_539 = arith.addf %add3A_532, %get3A_538 : vector<16xf32>
        %add3A_540 = arith.constant 11 : i32
        %add3A_541 = arith.addi %mul3A_466, %add3A_540 : i32
        %get3A_542 = arith.index_cast %add3A_541 : i32 to index
        %get3A_543 = arith.constant 0 : index
        %get3A_544 = tpu.vector_load %arg7[%get3A_542, %get3A_543] {strides = array<i32>} : memref<1664x16xf32, #tpu.memory_space<vmem>>, vector<1x16xf32>,
        %get3A_545 = vector.shape_cast %get3A_544 : vector<1x16xf32> to vector<16xf32>
        %add3A_546 = arith.addf %add3A_539, %get3A_545 : vector<16xf32>
        %add3A_547 = arith.constant 12 : i32
        %add3A_548 = arith.addi %mul3A_466, %add3A_547 : i32
        %get3A_549 = arith.index_cast %add3A_548 : i32 to index
        %get3A_550 = arith.constant 0 : index
        %get3A_551 = tpu.vector_load %arg7[%get3A_549, %get3A_550] {strides = array<i32>} : memref<1664x16xf32, #tpu.memory_space<vmem>>, vector<1x16xf32>,
        %get3A_552 = vector.shape_cast %get3A_551 : vector<1x16xf32> to vector<16xf32>
        %add3A_553 = arith.addf %add3A_546, %get3A_552 : vector<16xf32>
        %add3A_554 = arith.constant 13 : i32
        %add3A_555 = arith.addi %mul3A_466, %add3A_554 : i32
        %get3A_556 = arith.index_cast %add3A_555 : i32 to index
        %get3A_557 = arith.constant 0 : index
        %get3A_558 = tpu.vector_load %arg7[%get3A_556, %get3A_557] {strides = array<i32>} : memref<1664x16xf32, #tpu.memory_space<vmem>>, vector<1x16xf32>,
        %get3A_559 = vector.shape_cast %get3A_558 : vector<1x16xf32> to vector<16xf32>
        %add3A_560 = arith.addf %add3A_553, %get3A_559 : vector<16xf32>
        %add3A_561 = arith.constant 14 : i32
        %add3A_562 = arith.addi %mul3A_466, %add3A_561 : i32
        %get3A_563 = arith.index_cast %add3A_562 : i32 to index
        %get3A_564 = arith.constant 0 : index
        %get3A_565 = tpu.vector_load %arg7[%get3A_563, %get3A_564] {strides = array<i32>} : memref<1664x16xf32, #tpu.memory_space<vmem>>, vector<1x16xf32>,
        %get3A_566 = vector.shape_cast %get3A_565 : vector<1x16xf32> to vector<16xf32>
        %add3A_567 = arith.addf %add3A_560, %get3A_566 : vector<16xf32>
        %add3A_568 = arith.constant 15 : i32
        %add3A_569 = arith.addi %mul3A_466, %add3A_568 : i32
        %get3A_570 = arith.index_cast %add3A_569 : i32 to index
        %get3A_571 = arith.constant 0 : index
        %get3A_572 = tpu.vector_load %arg7[%get3A_570, %get3A_571] {strides = array<i32>} : memref<1664x16xf32, #tpu.memory_space<vmem>>, vector<1x16xf32>,
        %get3A_573 = vector.shape_cast %get3A_572 : vector<1x16xf32> to vector<16xf32>
        %add3A_574 = arith.addf %add3A_567, %get3A_573 : vector<16xf32>
        %add3A_575 = arith.constant 16 : i32
        %add3A_576 = arith.addi %mul3A_466, %add3A_575 : i32
        %get3A_577 = arith.index_cast %add3A_576 : i32 to index
        %get3A_578 = arith.constant 0 : index
        %get3A_579 = tpu.vector_load %arg7[%get3A_577, %get3A_578] {strides = array<i32>} : memref<1664x16xf32, #tpu.memory_space<vmem>>, vector<1x16xf32>,
        %get3A_580 = vector.shape_cast %get3A_579 : vector<1x16xf32> to vector<16xf32>
        %add3A_581 = arith.addf %add3A_574, %get3A_580 : vector<16xf32>
        %add3A_582 = arith.constant 17 : i32
        %add3A_583 = arith.addi %mul3A_466, %add3A_582 : i32
        %get3A_584 = arith.index_cast %add3A_583 : i32 to index
        %get3A_585 = arith.constant 0 : index
        %get3A_586 = tpu.vector_load %arg7[%get3A_584, %get3A_585] {strides = array<i32>} : memref<1664x16xf32, #tpu.memory_space<vmem>>, vector<1x16xf32>,
        %get3A_587 = vector.shape_cast %get3A_586 : vector<1x16xf32> to vector<16xf32>
        %add3A_588 = arith.addf %add3A_581, %get3A_587 : vector<16xf32>
        %add3A_589 = arith.constant 18 : i32
        %add3A_590 = arith.addi %mul3A_466, %add3A_589 : i32
        %get3A_591 = arith.index_cast %add3A_590 : i32 to index
        %get3A_592 = arith.constant 0 : index
        %get3A_593 = tpu.vector_load %arg7[%get3A_591, %get3A_592] {strides = array<i32>} : memref<1664x16xf32, #tpu.memory_space<vmem>>, vector<1x16xf32>,
        %get3A_594 = vector.shape_cast %get3A_593 : vector<1x16xf32> to vector<16xf32>
        %add3A_595 = arith.addf %add3A_588, %get3A_594 : vector<16xf32>
        %add3A_596 = arith.constant 19 : i32
        %add3A_597 = arith.addi %mul3A_466, %add3A_596 : i32
        %get3A_598 = arith.index_cast %add3A_597 : i32 to index
        %get3A_599 = arith.constant 0 : index
        %get3A_600 = tpu.vector_load %arg7[%get3A_598, %get3A_599] {strides = array<i32>} : memref<1664x16xf32, #tpu.memory_space<vmem>>, vector<1x16xf32>,
        %get3A_601 = vector.shape_cast %get3A_600 : vector<1x16xf32> to vector<16xf32>
        %add3A_602 = arith.addf %add3A_595, %get3A_601 : vector<16xf32>
        %add3A_603 = arith.constant 20 : i32
        %add3A_604 = arith.addi %mul3A_466, %add3A_603 : i32
        %get3A_605 = arith.index_cast %add3A_604 : i32 to index
        %get3A_606 = arith.constant 0 : index
        %get3A_607 = tpu.vector_load %arg7[%get3A_605, %get3A_606] {strides = array<i32>} : memref<1664x16xf32, #tpu.memory_space<vmem>>, vector<1x16xf32>,
        %get3A_608 = vector.shape_cast %get3A_607 : vector<1x16xf32> to vector<16xf32>
        %add3A_609 = arith.addf %add3A_602, %get3A_608 : vector<16xf32>
        %add3A_610 = arith.constant 21 : i32
        %add3A_611 = arith.addi %mul3A_466, %add3A_610 : i32
        %get3A_612 = arith.index_cast %add3A_611 : i32 to index
        %get3A_613 = arith.constant 0 : index
        %get3A_614 = tpu.vector_load %arg7[%get3A_612, %get3A_613] {strides = array<i32>} : memref<1664x16xf32, #tpu.memory_space<vmem>>, vector<1x16xf32>,
        %get3A_615 = vector.shape_cast %get3A_614 : vector<1x16xf32> to vector<16xf32>
        %add3A_616 = arith.addf %add3A_609, %get3A_615 : vector<16xf32>
        %add3A_617 = arith.constant 22 : i32
        %add3A_618 = arith.addi %mul3A_466, %add3A_617 : i32
        %get3A_619 = arith.index_cast %add3A_618 : i32 to index
        %get3A_620 = arith.constant 0 : index
        %get3A_621 = tpu.vector_load %arg7[%get3A_619, %get3A_620] {strides = array<i32>} : memref<1664x16xf32, #tpu.memory_space<vmem>>, vector<1x16xf32>,
        %get3A_622 = vector.shape_cast %get3A_621 : vector<1x16xf32> to vector<16xf32>
        %add3A_623 = arith.addf %add3A_616, %get3A_622 : vector<16xf32>
        %add3A_624 = arith.constant 23 : i32
        %add3A_625 = arith.addi %mul3A_466, %add3A_624 : i32
        %get3A_626 = arith.index_cast %add3A_625 : i32 to index
        %get3A_627 = arith.constant 0 : index
        %get3A_628 = tpu.vector_load %arg7[%get3A_626, %get3A_627] {strides = array<i32>} : memref<1664x16xf32, #tpu.memory_space<vmem>>, vector<1x16xf32>,
        %get3A_629 = vector.shape_cast %get3A_628 : vector<1x16xf32> to vector<16xf32>
        %add3A_630 = arith.addf %add3A_623, %get3A_629 : vector<16xf32>
        %add3A_631 = arith.constant 24 : i32
        %add3A_632 = arith.addi %mul3A_466, %add3A_631 : i32
        %get3A_633 = arith.index_cast %add3A_632 : i32 to index
        %get3A_634 = arith.constant 0 : index
        %get3A_635 = tpu.vector_load %arg7[%get3A_633, %get3A_634] {strides = array<i32>} : memref<1664x16xf32, #tpu.memory_space<vmem>>, vector<1x16xf32>,
        %get3A_636 = vector.shape_cast %get3A_635 : vector<1x16xf32> to vector<16xf32>
        %add3A_637 = arith.addf %add3A_630, %get3A_636 : vector<16xf32>
        %add3A_638 = arith.constant 25 : i32
        %add3A_639 = arith.addi %mul3A_466, %add3A_638 : i32
        %get3A_640 = arith.index_cast %add3A_639 : i32 to index
        %get3A_641 = arith.constant 0 : index
        %get3A_642 = tpu.vector_load %arg7[%get3A_640, %get3A_641] {strides = array<i32>} : memref<1664x16xf32, #tpu.memory_space<vmem>>, vector<1x16xf32>,
        %get3A_643 = vector.shape_cast %get3A_642 : vector<1x16xf32> to vector<16xf32>
        %add3A_644 = arith.addf %add3A_637, %get3A_643 : vector<16xf32>
        %mul3A_645 = arith.constant 16 : i32
        %mul3A_646 = arith.muli %scan3A_464, %mul3A_645 : i32
        %swap3A = arith.index_cast %mul3A_646 : i32 to index
        %swap3A_647 = tpu.vector_load %arg9[%swap3A] {strides = array<i32>} : memref<1024xf32, #tpu.memory_space<vmem>>, vector<16xf32>,
        %swap3A_648 = vector.shape_cast %swap3A_647 : vector<16xf32> to vector<16xf32>
        %swap3A_649 = vector.shape_cast %add3A_644 : vector<16xf32> to vector<16xf32>
        tpu.vector_store %arg9[%swap3A], %swap3A_649 {strides = array<i32>} : memref<1024xf32, #tpu.memory_space<vmem>>, vector<16xf32>,
      }
      %scan3A_337 = arith.constant 64 : i32
      %mul3A_338 = arith.constant 8 : i32
      %mul3A_339 = arith.muli %add3A, %mul3A_338 : i32
      %add3A_340 = arith.addi %mul3A_339, %mul3A_117 : i32
      %mul3A_341 = arith.constant 1024 : i32
      %mul3A_342 = arith.muli %add3A_340, %mul3A_341 : i32
      "tpu.region"() ({
        %run_scoped3A = tpu.sem_alloc : memref<!tpu.dma_semaphore, #tpu.memory_space<semaphore_mem>>
        %dma_start3A_464 = tpu.memref_slice %arg4[%mul3A_342] : memref<262144xf32, #tpu.memory_space<hbm>> -> memref<1024xf32, #tpu.memory_space<hbm>>
        %dma_start3A_465 = tpu.memref_slice %arg4[%mul3A_342] : memref<262144xf32, #tpu.memory_space<hbm>> -> memref<1024xf32, #tpu.memory_space<hbm>>
        tpu.enqueue_dma source(%arg9 : memref<1024xf32, #tpu.memory_space<vmem>>) target(%dma_start3A_465 : memref<1024xf32, #tpu.memory_space<hbm>>) target_semaphore(%run_scoped3A : memref<!tpu.dma_semaphore, #tpu.memory_space<semaphore_mem>>)
        %dma_wait3A_466 = tpu.memref_slice %arg4[%mul3A_342] : memref<262144xf32, #tpu.memory_space<hbm>> -> memref<1024xf32, #tpu.memory_space<hbm>>
        %dma_wait3A_467 = tpu.memref_slice %arg4[%mul3A_342] : memref<262144xf32, #tpu.memory_space<hbm>> -> memref<1024xf32, #tpu.memory_space<hbm>>
        tpu.wait_dma2 semaphore(%run_scoped3A : memref<!tpu.dma_semaphore, #tpu.memory_space<semaphore_mem>>) src(%arg9 : memref<1024xf32, #tpu.memory_space<vmem>>) dst(%dma_wait3A_467 : memref<1024xf32, #tpu.memory_space<hbm>>)
        tpu.yield
      }) : () -> ()
      %add3A_343 = arith.constant 2 : i32
      %add3A_344 = arith.addi %mul3A_117, %add3A_343 : i32
      %lt3A = arith.constant 8 : i32
      %lt3A_345 = arith.cmpi slt, %add3A_344, %lt3A : i32
      %convert_element_type3A = arith.extui %lt3A_345 : i1 to i32
      %cond3A = arith.constant 0 : i32
      %cond3A_346 = arith.cmpi ne, %convert_element_type3A, %cond3A : i32
      scf.if %cond3A_346 {
        %add3A_464 = arith.constant 2 : i32
        %add3A_465 = arith.addi %mul3A_117, %add3A_464 : i32
        %mul3A_466 = arith.constant 8 : i32
        %mul3A_467 = arith.muli %add3A, %mul3A_466 : i32
        %add3A_468 = arith.addi %mul3A_467, %add3A_465 : i32
        %mul3A_469 = arith.constant 1664 : i32
        %mul3A_470 = arith.muli %add3A_468, %mul3A_469 : i32
        "tpu.region"() ({
          %run_scoped3A = tpu.sem_alloc : memref<!tpu.dma_semaphore, #tpu.memory_space<semaphore_mem>>
          %dma_start3A_575 = tpu.memref_slice %arg2[%mul3A_470] : memref<425984xi32, #tpu.memory_space<hbm>> -> memref<1664xi32, #tpu.memory_space<hbm>>
          %dma_start3A_576 = tpu.memref_slice %arg2[%mul3A_470] : memref<425984xi32, #tpu.memory_space<hbm>> -> memref<1664xi32, #tpu.memory_space<hbm>>
          tpu.enqueue_dma source(%dma_start3A_576 : memref<1664xi32, #tpu.memory_space<hbm>>) target(%arg5 : memref<1664xi32, #tpu.memory_space<vmem>>) target_semaphore(%run_scoped3A : memref<!tpu.dma_semaphore, #tpu.memory_space<semaphore_mem>>)
          %dma_wait3A_577 = tpu.memref_slice %arg2[%mul3A_470] : memref<425984xi32, #tpu.memory_space<hbm>> -> memref<1664xi32, #tpu.memory_space<hbm>>
          %dma_wait3A_578 = tpu.memref_slice %arg2[%mul3A_470] : memref<425984xi32, #tpu.memory_space<hbm>> -> memref<1664xi32, #tpu.memory_space<hbm>>
          tpu.wait_dma2 semaphore(%run_scoped3A : memref<!tpu.dma_semaphore, #tpu.memory_space<semaphore_mem>>) src(%dma_wait3A_578 : memref<1664xi32, #tpu.memory_space<hbm>>) dst(%arg5 : memref<1664xi32, #tpu.memory_space<vmem>>)
          tpu.yield
        }) : () -> ()
        %dma_start3A_471 = arith.constant 0 : i32
        %dma_start3A_472 = arith.constant 0 : i32
        %dma_start3A_473 = tpu.memref_slice %arg7[%dma_start3A_471, %dma_start3A_472] : memref<1664x16xf32, #tpu.memory_space<vmem>> -> memref<128x16xf32, #tpu.memory_space<vmem>>
        %dma_start3A_474 = arith.constant 0 : i32
        %dma_start3A_475 = tpu.memref_slice %arg5[%dma_start3A_474] : memref<1664xi32, #tpu.memory_space<vmem>> -> memref<128xi32, #tpu.memory_space<vmem>>
        %dma_start3A_476 = arith.constant 0 : i32
        %dma_start3A_477 = arith.constant 0 : i32
        %dma_start3A_478 = tpu.memref_slice %arg3[%dma_start3A_476, %dma_start3A_477] : memref<1000000x16xf32, #tpu.memory_space<hbm>> -> memref<1000000x16xf32, #tpu.memory_space<hbm>>
        tpu.enqueue_indirect_dma source(%dma_start3A_478 : memref<1000000x16xf32, #tpu.memory_space<hbm>>) target(%dma_start3A_473 : memref<128x16xf32, #tpu.memory_space<vmem>>) offsets(%dma_start3A_475 : memref<128xi32, #tpu.memory_space<vmem>>) semaphore(%arg10 : memref<!tpu.dma_semaphore, #tpu.memory_space<semaphore_mem>>)
        %dma_start3A_479 = arith.constant 128 : i32
        %dma_start3A_480 = arith.constant 0 : i32
        %dma_start3A_481 = tpu.memref_slice %arg7[%dma_start3A_479, %dma_start3A_480] : memref<1664x16xf32, #tpu.memory_space<vmem>> -> memref<128x16xf32, #tpu.memory_space<vmem>>
        %dma_start3A_482 = arith.constant 128 : i32
        %dma_start3A_483 = tpu.memref_slice %arg5[%dma_start3A_482] : memref<1664xi32, #tpu.memory_space<vmem>> -> memref<128xi32, #tpu.memory_space<vmem>>
        %dma_start3A_484 = arith.constant 0 : i32
        %dma_start3A_485 = arith.constant 0 : i32
        %dma_start3A_486 = tpu.memref_slice %arg3[%dma_start3A_484, %dma_start3A_485] : memref<1000000x16xf32, #tpu.memory_space<hbm>> -> memref<1000000x16xf32, #tpu.memory_space<hbm>>
        tpu.enqueue_indirect_dma source(%dma_start3A_486 : memref<1000000x16xf32, #tpu.memory_space<hbm>>) target(%dma_start3A_481 : memref<128x16xf32, #tpu.memory_space<vmem>>) offsets(%dma_start3A_483 : memref<128xi32, #tpu.memory_space<vmem>>) semaphore(%arg10 : memref<!tpu.dma_semaphore, #tpu.memory_space<semaphore_mem>>)
        %dma_start3A_487 = arith.constant 256 : i32
        %dma_start3A_488 = arith.constant 0 : i32
        %dma_start3A_489 = tpu.memref_slice %arg7[%dma_start3A_487, %dma_start3A_488] : memref<1664x16xf32, #tpu.memory_space<vmem>> -> memref<128x16xf32, #tpu.memory_space<vmem>>
        %dma_start3A_490 = arith.constant 256 : i32
        %dma_start3A_491 = tpu.memref_slice %arg5[%dma_start3A_490] : memref<1664xi32, #tpu.memory_space<vmem>> -> memref<128xi32, #tpu.memory_space<vmem>>
        %dma_start3A_492 = arith.constant 0 : i32
        %dma_start3A_493 = arith.constant 0 : i32
        %dma_start3A_494 = tpu.memref_slice %arg3[%dma_start3A_492, %dma_start3A_493] : memref<1000000x16xf32, #tpu.memory_space<hbm>> -> memref<1000000x16xf32, #tpu.memory_space<hbm>>
        tpu.enqueue_indirect_dma source(%dma_start3A_494 : memref<1000000x16xf32, #tpu.memory_space<hbm>>) target(%dma_start3A_489 : memref<128x16xf32, #tpu.memory_space<vmem>>) offsets(%dma_start3A_491 : memref<128xi32, #tpu.memory_space<vmem>>) semaphore(%arg10 : memref<!tpu.dma_semaphore, #tpu.memory_space<semaphore_mem>>)
        %dma_start3A_495 = arith.constant 384 : i32
        %dma_start3A_496 = arith.constant 0 : i32
        %dma_start3A_497 = tpu.memref_slice %arg7[%dma_start3A_495, %dma_start3A_496] : memref<1664x16xf32, #tpu.memory_space<vmem>> -> memref<128x16xf32, #tpu.memory_space<vmem>>
        %dma_start3A_498 = arith.constant 384 : i32
        %dma_start3A_499 = tpu.memref_slice %arg5[%dma_start3A_498] : memref<1664xi32, #tpu.memory_space<vmem>> -> memref<128xi32, #tpu.memory_space<vmem>>
        %dma_start3A_500 = arith.constant 0 : i32
        %dma_start3A_501 = arith.constant 0 : i32
        %dma_start3A_502 = tpu.memref_slice %arg3[%dma_start3A_500, %dma_start3A_501] : memref<1000000x16xf32, #tpu.memory_space<hbm>> -> memref<1000000x16xf32, #tpu.memory_space<hbm>>
        tpu.enqueue_indirect_dma source(%dma_start3A_502 : memref<1000000x16xf32, #tpu.memory_space<hbm>>) target(%dma_start3A_497 : memref<128x16xf32, #tpu.memory_space<vmem>>) offsets(%dma_start3A_499 : memref<128xi32, #tpu.memory_space<vmem>>) semaphore(%arg10 : memref<!tpu.dma_semaphore, #tpu.memory_space<semaphore_mem>>)
        %dma_start3A_503 = arith.constant 512 : i32
        %dma_start3A_504 = arith.constant 0 : i32
        %dma_start3A_505 = tpu.memref_slice %arg7[%dma_start3A_503, %dma_start3A_504] : memref<1664x16xf32, #tpu.memory_space<vmem>> -> memref<128x16xf32, #tpu.memory_space<vmem>>
        %dma_start3A_506 = arith.constant 512 : i32
        %dma_start3A_507 = tpu.memref_slice %arg5[%dma_start3A_506] : memref<1664xi32, #tpu.memory_space<vmem>> -> memref<128xi32, #tpu.memory_space<vmem>>
        %dma_start3A_508 = arith.constant 0 : i32
        %dma_start3A_509 = arith.constant 0 : i32
        %dma_start3A_510 = tpu.memref_slice %arg3[%dma_start3A_508, %dma_start3A_509] : memref<1000000x16xf32, #tpu.memory_space<hbm>> -> memref<1000000x16xf32, #tpu.memory_space<hbm>>
        tpu.enqueue_indirect_dma source(%dma_start3A_510 : memref<1000000x16xf32, #tpu.memory_space<hbm>>) target(%dma_start3A_505 : memref<128x16xf32, #tpu.memory_space<vmem>>) offsets(%dma_start3A_507 : memref<128xi32, #tpu.memory_space<vmem>>) semaphore(%arg10 : memref<!tpu.dma_semaphore, #tpu.memory_space<semaphore_mem>>)
        %dma_start3A_511 = arith.constant 640 : i32
        %dma_start3A_512 = arith.constant 0 : i32
        %dma_start3A_513 = tpu.memref_slice %arg7[%dma_start3A_511, %dma_start3A_512] : memref<1664x16xf32, #tpu.memory_space<vmem>> -> memref<128x16xf32, #tpu.memory_space<vmem>>
        %dma_start3A_514 = arith.constant 640 : i32
        %dma_start3A_515 = tpu.memref_slice %arg5[%dma_start3A_514] : memref<1664xi32, #tpu.memory_space<vmem>> -> memref<128xi32, #tpu.memory_space<vmem>>
        %dma_start3A_516 = arith.constant 0 : i32
        %dma_start3A_517 = arith.constant 0 : i32
        %dma_start3A_518 = tpu.memref_slice %arg3[%dma_start3A_516, %dma_start3A_517] : memref<1000000x16xf32, #tpu.memory_space<hbm>> -> memref<1000000x16xf32, #tpu.memory_space<hbm>>
        tpu.enqueue_indirect_dma source(%dma_start3A_518 : memref<1000000x16xf32, #tpu.memory_space<hbm>>) target(%dma_start3A_513 : memref<128x16xf32, #tpu.memory_space<vmem>>) offsets(%dma_start3A_515 : memref<128xi32, #tpu.memory_space<vmem>>) semaphore(%arg10 : memref<!tpu.dma_semaphore, #tpu.memory_space<semaphore_mem>>)
        %dma_start3A_519 = arith.constant 768 : i32
        %dma_start3A_520 = arith.constant 0 : i32
        %dma_start3A_521 = tpu.memref_slice %arg7[%dma_start3A_519, %dma_start3A_520] : memref<1664x16xf32, #tpu.memory_space<vmem>> -> memref<128x16xf32, #tpu.memory_space<vmem>>
        %dma_start3A_522 = arith.constant 768 : i32
        %dma_start3A_523 = tpu.memref_slice %arg5[%dma_start3A_522] : memref<1664xi32, #tpu.memory_space<vmem>> -> memref<128xi32, #tpu.memory_space<vmem>>
        %dma_start3A_524 = arith.constant 0 : i32
        %dma_start3A_525 = arith.constant 0 : i32
        %dma_start3A_526 = tpu.memref_slice %arg3[%dma_start3A_524, %dma_start3A_525] : memref<1000000x16xf32, #tpu.memory_space<hbm>> -> memref<1000000x16xf32, #tpu.memory_space<hbm>>
        tpu.enqueue_indirect_dma source(%dma_start3A_526 : memref<1000000x16xf32, #tpu.memory_space<hbm>>) target(%dma_start3A_521 : memref<128x16xf32, #tpu.memory_space<vmem>>) offsets(%dma_start3A_523 : memref<128xi32, #tpu.memory_space<vmem>>) semaphore(%arg10 : memref<!tpu.dma_semaphore, #tpu.memory_space<semaphore_mem>>)
        %dma_start3A_527 = arith.constant 896 : i32
        %dma_start3A_528 = arith.constant 0 : i32
        %dma_start3A_529 = tpu.memref_slice %arg7[%dma_start3A_527, %dma_start3A_528] : memref<1664x16xf32, #tpu.memory_space<vmem>> -> memref<128x16xf32, #tpu.memory_space<vmem>>
        %dma_start3A_530 = arith.constant 896 : i32
        %dma_start3A_531 = tpu.memref_slice %arg5[%dma_start3A_530] : memref<1664xi32, #tpu.memory_space<vmem>> -> memref<128xi32, #tpu.memory_space<vmem>>
        %dma_start3A_532 = arith.constant 0 : i32
        %dma_start3A_533 = arith.constant 0 : i32
        %dma_start3A_534 = tpu.memref_slice %arg3[%dma_start3A_532, %dma_start3A_533] : memref<1000000x16xf32, #tpu.memory_space<hbm>> -> memref<1000000x16xf32, #tpu.memory_space<hbm>>
        tpu.enqueue_indirect_dma source(%dma_start3A_534 : memref<1000000x16xf32, #tpu.memory_space<hbm>>) target(%dma_start3A_529 : memref<128x16xf32, #tpu.memory_space<vmem>>) offsets(%dma_start3A_531 : memref<128xi32, #tpu.memory_space<vmem>>) semaphore(%arg10 : memref<!tpu.dma_semaphore, #tpu.memory_space<semaphore_mem>>)
        %dma_start3A_535 = arith.constant 1024 : i32
        %dma_start3A_536 = arith.constant 0 : i32
        %dma_start3A_537 = tpu.memref_slice %arg7[%dma_start3A_535, %dma_start3A_536] : memref<1664x16xf32, #tpu.memory_space<vmem>> -> memref<128x16xf32, #tpu.memory_space<vmem>>
        %dma_start3A_538 = arith.constant 1024 : i32
        %dma_start3A_539 = tpu.memref_slice %arg5[%dma_start3A_538] : memref<1664xi32, #tpu.memory_space<vmem>> -> memref<128xi32, #tpu.memory_space<vmem>>
        %dma_start3A_540 = arith.constant 0 : i32
        %dma_start3A_541 = arith.constant 0 : i32
        %dma_start3A_542 = tpu.memref_slice %arg3[%dma_start3A_540, %dma_start3A_541] : memref<1000000x16xf32, #tpu.memory_space<hbm>> -> memref<1000000x16xf32, #tpu.memory_space<hbm>>
        tpu.enqueue_indirect_dma source(%dma_start3A_542 : memref<1000000x16xf32, #tpu.memory_space<hbm>>) target(%dma_start3A_537 : memref<128x16xf32, #tpu.memory_space<vmem>>) offsets(%dma_start3A_539 : memref<128xi32, #tpu.memory_space<vmem>>) semaphore(%arg10 : memref<!tpu.dma_semaphore, #tpu.memory_space<semaphore_mem>>)
        %dma_start3A_543 = arith.constant 1152 : i32
        %dma_start3A_544 = arith.constant 0 : i32
        %dma_start3A_545 = tpu.memref_slice %arg7[%dma_start3A_543, %dma_start3A_544] : memref<1664x16xf32, #tpu.memory_space<vmem>> -> memref<128x16xf32, #tpu.memory_space<vmem>>
        %dma_start3A_546 = arith.constant 1152 : i32
        %dma_start3A_547 = tpu.memref_slice %arg5[%dma_start3A_546] : memref<1664xi32, #tpu.memory_space<vmem>> -> memref<128xi32, #tpu.memory_space<vmem>>
        %dma_start3A_548 = arith.constant 0 : i32
        %dma_start3A_549 = arith.constant 0 : i32
        %dma_start3A_550 = tpu.memref_slice %arg3[%dma_start3A_548, %dma_start3A_549] : memref<1000000x16xf32, #tpu.memory_space<hbm>> -> memref<1000000x16xf32, #tpu.memory_space<hbm>>
        tpu.enqueue_indirect_dma source(%dma_start3A_550 : memref<1000000x16xf32, #tpu.memory_space<hbm>>) target(%dma_start3A_545 : memref<128x16xf32, #tpu.memory_space<vmem>>) offsets(%dma_start3A_547 : memref<128xi32, #tpu.memory_space<vmem>>) semaphore(%arg10 : memref<!tpu.dma_semaphore, #tpu.memory_space<semaphore_mem>>)
        %dma_start3A_551 = arith.constant 1280 : i32
        %dma_start3A_552 = arith.constant 0 : i32
        %dma_start3A_553 = tpu.memref_slice %arg7[%dma_start3A_551, %dma_start3A_552] : memref<1664x16xf32, #tpu.memory_space<vmem>> -> memref<128x16xf32, #tpu.memory_space<vmem>>
        %dma_start3A_554 = arith.constant 1280 : i32
        %dma_start3A_555 = tpu.memref_slice %arg5[%dma_start3A_554] : memref<1664xi32, #tpu.memory_space<vmem>> -> memref<128xi32, #tpu.memory_space<vmem>>
        %dma_start3A_556 = arith.constant 0 : i32
        %dma_start3A_557 = arith.constant 0 : i32
        %dma_start3A_558 = tpu.memref_slice %arg3[%dma_start3A_556, %dma_start3A_557] : memref<1000000x16xf32, #tpu.memory_space<hbm>> -> memref<1000000x16xf32, #tpu.memory_space<hbm>>
        tpu.enqueue_indirect_dma source(%dma_start3A_558 : memref<1000000x16xf32, #tpu.memory_space<hbm>>) target(%dma_start3A_553 : memref<128x16xf32, #tpu.memory_space<vmem>>) offsets(%dma_start3A_555 : memref<128xi32, #tpu.memory_space<vmem>>) semaphore(%arg10 : memref<!tpu.dma_semaphore, #tpu.memory_space<semaphore_mem>>)
        %dma_start3A_559 = arith.constant 1408 : i32
        %dma_start3A_560 = arith.constant 0 : i32
        %dma_start3A_561 = tpu.memref_slice %arg7[%dma_start3A_559, %dma_start3A_560] : memref<1664x16xf32, #tpu.memory_space<vmem>> -> memref<128x16xf32, #tpu.memory_space<vmem>>
        %dma_start3A_562 = arith.constant 1408 : i32
        %dma_start3A_563 = tpu.memref_slice %arg5[%dma_start3A_562] : memref<1664xi32, #tpu.memory_space<vmem>> -> memref<128xi32, #tpu.memory_space<vmem>>
        %dma_start3A_564 = arith.constant 0 : i32
        %dma_start3A_565 = arith.constant 0 : i32
        %dma_start3A_566 = tpu.memref_slice %arg3[%dma_start3A_564, %dma_start3A_565] : memref<1000000x16xf32, #tpu.memory_space<hbm>> -> memref<1000000x16xf32, #tpu.memory_space<hbm>>
        tpu.enqueue_indirect_dma source(%dma_start3A_566 : memref<1000000x16xf32, #tpu.memory_space<hbm>>) target(%dma_start3A_561 : memref<128x16xf32, #tpu.memory_space<vmem>>) offsets(%dma_start3A_563 : memref<128xi32, #tpu.memory_space<vmem>>) semaphore(%arg10 : memref<!tpu.dma_semaphore, #tpu.memory_space<semaphore_mem>>)
        %dma_start3A_567 = arith.constant 1536 : i32
        %dma_start3A_568 = arith.constant 0 : i32
        %dma_start3A_569 = tpu.memref_slice %arg7[%dma_start3A_567, %dma_start3A_568] : memref<1664x16xf32, #tpu.memory_space<vmem>> -> memref<128x16xf32, #tpu.memory_space<vmem>>
        %dma_start3A_570 = arith.constant 1536 : i32
        %dma_start3A_571 = tpu.memref_slice %arg5[%dma_start3A_570] : memref<1664xi32, #tpu.memory_space<vmem>> -> memref<128xi32, #tpu.memory_space<vmem>>
        %dma_start3A_572 = arith.constant 0 : i32
        %dma_start3A_573 = arith.constant 0 : i32
        %dma_start3A_574 = tpu.memref_slice %arg3[%dma_start3A_572, %dma_start3A_573] : memref<1000000x16xf32, #tpu.memory_space<hbm>> -> memref<1000000x16xf32, #tpu.memory_space<hbm>>
        tpu.enqueue_indirect_dma source(%dma_start3A_574 : memref<1000000x16xf32, #tpu.memory_space<hbm>>) target(%dma_start3A_569 : memref<128x16xf32, #tpu.memory_space<vmem>>) offsets(%dma_start3A_571 : memref<128xi32, #tpu.memory_space<vmem>>) semaphore(%arg10 : memref<!tpu.dma_semaphore, #tpu.memory_space<semaphore_mem>>)
      } else {
      }
      %dma_wait3A_347 = arith.constant 0 : i32
      %dma_wait3A_348 = arith.constant 0 : i32
      %dma_wait3A_349 = tpu.memref_slice %arg8[%dma_wait3A_347, %dma_wait3A_348] : memref<1664x16xf32, #tpu.memory_space<vmem>> -> memref<128x16xf32, #tpu.memory_space<vmem>>
      %dma_wait3A_350 = arith.constant 0 : i32
      %dma_wait3A_351 = tpu.memref_slice %arg6[%dma_wait3A_350] : memref<1664xi32, #tpu.memory_space<vmem>> -> memref<128xi32, #tpu.memory_space<vmem>>
      %dma_wait3A_352 = arith.constant 0 : i32
      %dma_wait3A_353 = arith.constant 0 : i32
      %dma_wait3A_354 = tpu.memref_slice %arg3[%dma_wait3A_352, %dma_wait3A_353] : memref<1000000x16xf32, #tpu.memory_space<hbm>> -> memref<1000000x16xf32, #tpu.memory_space<hbm>>
      tpu.wait_indirect_dma semaphore(%arg11 : memref<!tpu.dma_semaphore, #tpu.memory_space<semaphore_mem>>) src(%dma_wait3A_354 : memref<1000000x16xf32, #tpu.memory_space<hbm>>) dst(%dma_wait3A_349 : memref<128x16xf32, #tpu.memory_space<vmem>>)
      %dma_wait3A_355 = arith.constant 128 : i32
      %dma_wait3A_356 = arith.constant 0 : i32
      %dma_wait3A_357 = tpu.memref_slice %arg8[%dma_wait3A_355, %dma_wait3A_356] : memref<1664x16xf32, #tpu.memory_space<vmem>> -> memref<128x16xf32, #tpu.memory_space<vmem>>
      %dma_wait3A_358 = arith.constant 128 : i32
      %dma_wait3A_359 = tpu.memref_slice %arg6[%dma_wait3A_358] : memref<1664xi32, #tpu.memory_space<vmem>> -> memref<128xi32, #tpu.memory_space<vmem>>
      %dma_wait3A_360 = arith.constant 0 : i32
      %dma_wait3A_361 = arith.constant 0 : i32
      %dma_wait3A_362 = tpu.memref_slice %arg3[%dma_wait3A_360, %dma_wait3A_361] : memref<1000000x16xf32, #tpu.memory_space<hbm>> -> memref<1000000x16xf32, #tpu.memory_space<hbm>>
      tpu.wait_indirect_dma semaphore(%arg11 : memref<!tpu.dma_semaphore, #tpu.memory_space<semaphore_mem>>) src(%dma_wait3A_362 : memref<1000000x16xf32, #tpu.memory_space<hbm>>) dst(%dma_wait3A_357 : memref<128x16xf32, #tpu.memory_space<vmem>>)
      %dma_wait3A_363 = arith.constant 256 : i32
      %dma_wait3A_364 = arith.constant 0 : i32
      %dma_wait3A_365 = tpu.memref_slice %arg8[%dma_wait3A_363, %dma_wait3A_364] : memref<1664x16xf32, #tpu.memory_space<vmem>> -> memref<128x16xf32, #tpu.memory_space<vmem>>
      %dma_wait3A_366 = arith.constant 256 : i32
      %dma_wait3A_367 = tpu.memref_slice %arg6[%dma_wait3A_366] : memref<1664xi32, #tpu.memory_space<vmem>> -> memref<128xi32, #tpu.memory_space<vmem>>
      %dma_wait3A_368 = arith.constant 0 : i32
      %dma_wait3A_369 = arith.constant 0 : i32
      %dma_wait3A_370 = tpu.memref_slice %arg3[%dma_wait3A_368, %dma_wait3A_369] : memref<1000000x16xf32, #tpu.memory_space<hbm>> -> memref<1000000x16xf32, #tpu.memory_space<hbm>>
      tpu.wait_indirect_dma semaphore(%arg11 : memref<!tpu.dma_semaphore, #tpu.memory_space<semaphore_mem>>) src(%dma_wait3A_370 : memref<1000000x16xf32, #tpu.memory_space<hbm>>) dst(%dma_wait3A_365 : memref<128x16xf32, #tpu.memory_space<vmem>>)
      %dma_wait3A_371 = arith.constant 384 : i32
      %dma_wait3A_372 = arith.constant 0 : i32
      %dma_wait3A_373 = tpu.memref_slice %arg8[%dma_wait3A_371, %dma_wait3A_372] : memref<1664x16xf32, #tpu.memory_space<vmem>> -> memref<128x16xf32, #tpu.memory_space<vmem>>
      %dma_wait3A_374 = arith.constant 384 : i32
      %dma_wait3A_375 = tpu.memref_slice %arg6[%dma_wait3A_374] : memref<1664xi32, #tpu.memory_space<vmem>> -> memref<128xi32, #tpu.memory_space<vmem>>
      %dma_wait3A_376 = arith.constant 0 : i32
      %dma_wait3A_377 = arith.constant 0 : i32
      %dma_wait3A_378 = tpu.memref_slice %arg3[%dma_wait3A_376, %dma_wait3A_377] : memref<1000000x16xf32, #tpu.memory_space<hbm>> -> memref<1000000x16xf32, #tpu.memory_space<hbm>>
      tpu.wait_indirect_dma semaphore(%arg11 : memref<!tpu.dma_semaphore, #tpu.memory_space<semaphore_mem>>) src(%dma_wait3A_378 : memref<1000000x16xf32, #tpu.memory_space<hbm>>) dst(%dma_wait3A_373 : memref<128x16xf32, #tpu.memory_space<vmem>>)
      %dma_wait3A_379 = arith.constant 512 : i32
      %dma_wait3A_380 = arith.constant 0 : i32
      %dma_wait3A_381 = tpu.memref_slice %arg8[%dma_wait3A_379, %dma_wait3A_380] : memref<1664x16xf32, #tpu.memory_space<vmem>> -> memref<128x16xf32, #tpu.memory_space<vmem>>
      %dma_wait3A_382 = arith.constant 512 : i32
      %dma_wait3A_383 = tpu.memref_slice %arg6[%dma_wait3A_382] : memref<1664xi32, #tpu.memory_space<vmem>> -> memref<128xi32, #tpu.memory_space<vmem>>
      %dma_wait3A_384 = arith.constant 0 : i32
      %dma_wait3A_385 = arith.constant 0 : i32
      %dma_wait3A_386 = tpu.memref_slice %arg3[%dma_wait3A_384, %dma_wait3A_385] : memref<1000000x16xf32, #tpu.memory_space<hbm>> -> memref<1000000x16xf32, #tpu.memory_space<hbm>>
      tpu.wait_indirect_dma semaphore(%arg11 : memref<!tpu.dma_semaphore, #tpu.memory_space<semaphore_mem>>) src(%dma_wait3A_386 : memref<1000000x16xf32, #tpu.memory_space<hbm>>) dst(%dma_wait3A_381 : memref<128x16xf32, #tpu.memory_space<vmem>>)
      %dma_wait3A_387 = arith.constant 640 : i32
      %dma_wait3A_388 = arith.constant 0 : i32
      %dma_wait3A_389 = tpu.memref_slice %arg8[%dma_wait3A_387, %dma_wait3A_388] : memref<1664x16xf32, #tpu.memory_space<vmem>> -> memref<128x16xf32, #tpu.memory_space<vmem>>
      %dma_wait3A_390 = arith.constant 640 : i32
      %dma_wait3A_391 = tpu.memref_slice %arg6[%dma_wait3A_390] : memref<1664xi32, #tpu.memory_space<vmem>> -> memref<128xi32, #tpu.memory_space<vmem>>
      %dma_wait3A_392 = arith.constant 0 : i32
      %dma_wait3A_393 = arith.constant 0 : i32
      %dma_wait3A_394 = tpu.memref_slice %arg3[%dma_wait3A_392, %dma_wait3A_393] : memref<1000000x16xf32, #tpu.memory_space<hbm>> -> memref<1000000x16xf32, #tpu.memory_space<hbm>>
      tpu.wait_indirect_dma semaphore(%arg11 : memref<!tpu.dma_semaphore, #tpu.memory_space<semaphore_mem>>) src(%dma_wait3A_394 : memref<1000000x16xf32, #tpu.memory_space<hbm>>) dst(%dma_wait3A_389 : memref<128x16xf32, #tpu.memory_space<vmem>>)
      %dma_wait3A_395 = arith.constant 768 : i32
      %dma_wait3A_396 = arith.constant 0 : i32
      %dma_wait3A_397 = tpu.memref_slice %arg8[%dma_wait3A_395, %dma_wait3A_396] : memref<1664x16xf32, #tpu.memory_space<vmem>> -> memref<128x16xf32, #tpu.memory_space<vmem>>
      %dma_wait3A_398 = arith.constant 768 : i32
      %dma_wait3A_399 = tpu.memref_slice %arg6[%dma_wait3A_398] : memref<1664xi32, #tpu.memory_space<vmem>> -> memref<128xi32, #tpu.memory_space<vmem>>
      %dma_wait3A_400 = arith.constant 0 : i32
      %dma_wait3A_401 = arith.constant 0 : i32
      %dma_wait3A_402 = tpu.memref_slice %arg3[%dma_wait3A_400, %dma_wait3A_401] : memref<1000000x16xf32, #tpu.memory_space<hbm>> -> memref<1000000x16xf32, #tpu.memory_space<hbm>>
      tpu.wait_indirect_dma semaphore(%arg11 : memref<!tpu.dma_semaphore, #tpu.memory_space<semaphore_mem>>) src(%dma_wait3A_402 : memref<1000000x16xf32, #tpu.memory_space<hbm>>) dst(%dma_wait3A_397 : memref<128x16xf32, #tpu.memory_space<vmem>>)
      %dma_wait3A_403 = arith.constant 896 : i32
      %dma_wait3A_404 = arith.constant 0 : i32
      %dma_wait3A_405 = tpu.memref_slice %arg8[%dma_wait3A_403, %dma_wait3A_404] : memref<1664x16xf32, #tpu.memory_space<vmem>> -> memref<128x16xf32, #tpu.memory_space<vmem>>
      %dma_wait3A_406 = arith.constant 896 : i32
      %dma_wait3A_407 = tpu.memref_slice %arg6[%dma_wait3A_406] : memref<1664xi32, #tpu.memory_space<vmem>> -> memref<128xi32, #tpu.memory_space<vmem>>
      %dma_wait3A_408 = arith.constant 0 : i32
      %dma_wait3A_409 = arith.constant 0 : i32
      %dma_wait3A_410 = tpu.memref_slice %arg3[%dma_wait3A_408, %dma_wait3A_409] : memref<1000000x16xf32, #tpu.memory_space<hbm>> -> memref<1000000x16xf32, #tpu.memory_space<hbm>>
      tpu.wait_indirect_dma semaphore(%arg11 : memref<!tpu.dma_semaphore, #tpu.memory_space<semaphore_mem>>) src(%dma_wait3A_410 : memref<1000000x16xf32, #tpu.memory_space<hbm>>) dst(%dma_wait3A_405 : memref<128x16xf32, #tpu.memory_space<vmem>>)
      %dma_wait3A_411 = arith.constant 1024 : i32
      %dma_wait3A_412 = arith.constant 0 : i32
      %dma_wait3A_413 = tpu.memref_slice %arg8[%dma_wait3A_411, %dma_wait3A_412] : memref<1664x16xf32, #tpu.memory_space<vmem>> -> memref<128x16xf32, #tpu.memory_space<vmem>>
      %dma_wait3A_414 = arith.constant 1024 : i32
      %dma_wait3A_415 = tpu.memref_slice %arg6[%dma_wait3A_414] : memref<1664xi32, #tpu.memory_space<vmem>> -> memref<128xi32, #tpu.memory_space<vmem>>
      %dma_wait3A_416 = arith.constant 0 : i32
      %dma_wait3A_417 = arith.constant 0 : i32
      %dma_wait3A_418 = tpu.memref_slice %arg3[%dma_wait3A_416, %dma_wait3A_417] : memref<1000000x16xf32, #tpu.memory_space<hbm>> -> memref<1000000x16xf32, #tpu.memory_space<hbm>>
      tpu.wait_indirect_dma semaphore(%arg11 : memref<!tpu.dma_semaphore, #tpu.memory_space<semaphore_mem>>) src(%dma_wait3A_418 : memref<1000000x16xf32, #tpu.memory_space<hbm>>) dst(%dma_wait3A_413 : memref<128x16xf32, #tpu.memory_space<vmem>>)
      %dma_wait3A_419 = arith.constant 1152 : i32
      %dma_wait3A_420 = arith.constant 0 : i32
      %dma_wait3A_421 = tpu.memref_slice %arg8[%dma_wait3A_419, %dma_wait3A_420] : memref<1664x16xf32, #tpu.memory_space<vmem>> -> memref<128x16xf32, #tpu.memory_space<vmem>>
      %dma_wait3A_422 = arith.constant 1152 : i32
      %dma_wait3A_423 = tpu.memref_slice %arg6[%dma_wait3A_422] : memref<1664xi32, #tpu.memory_space<vmem>> -> memref<128xi32, #tpu.memory_space<vmem>>
      %dma_wait3A_424 = arith.constant 0 : i32
      %dma_wait3A_425 = arith.constant 0 : i32
      %dma_wait3A_426 = tpu.memref_slice %arg3[%dma_wait3A_424, %dma_wait3A_425] : memref<1000000x16xf32, #tpu.memory_space<hbm>> -> memref<1000000x16xf32, #tpu.memory_space<hbm>>
      tpu.wait_indirect_dma semaphore(%arg11 : memref<!tpu.dma_semaphore, #tpu.memory_space<semaphore_mem>>) src(%dma_wait3A_426 : memref<1000000x16xf32, #tpu.memory_space<hbm>>) dst(%dma_wait3A_421 : memref<128x16xf32, #tpu.memory_space<vmem>>)
      %dma_wait3A_427 = arith.constant 1280 : i32
      %dma_wait3A_428 = arith.constant 0 : i32
      %dma_wait3A_429 = tpu.memref_slice %arg8[%dma_wait3A_427, %dma_wait3A_428] : memref<1664x16xf32, #tpu.memory_space<vmem>> -> memref<128x16xf32, #tpu.memory_space<vmem>>
      %dma_wait3A_430 = arith.constant 1280 : i32
      %dma_wait3A_431 = tpu.memref_slice %arg6[%dma_wait3A_430] : memref<1664xi32, #tpu.memory_space<vmem>> -> memref<128xi32, #tpu.memory_space<vmem>>
      %dma_wait3A_432 = arith.constant 0 : i32
      %dma_wait3A_433 = arith.constant 0 : i32
      %dma_wait3A_434 = tpu.memref_slice %arg3[%dma_wait3A_432, %dma_wait3A_433] : memref<1000000x16xf32, #tpu.memory_space<hbm>> -> memref<1000000x16xf32, #tpu.memory_space<hbm>>
      tpu.wait_indirect_dma semaphore(%arg11 : memref<!tpu.dma_semaphore, #tpu.memory_space<semaphore_mem>>) src(%dma_wait3A_434 : memref<1000000x16xf32, #tpu.memory_space<hbm>>) dst(%dma_wait3A_429 : memref<128x16xf32, #tpu.memory_space<vmem>>)
      %dma_wait3A_435 = arith.constant 1408 : i32
      %dma_wait3A_436 = arith.constant 0 : i32
      %dma_wait3A_437 = tpu.memref_slice %arg8[%dma_wait3A_435, %dma_wait3A_436] : memref<1664x16xf32, #tpu.memory_space<vmem>> -> memref<128x16xf32, #tpu.memory_space<vmem>>
      %dma_wait3A_438 = arith.constant 1408 : i32
      %dma_wait3A_439 = tpu.memref_slice %arg6[%dma_wait3A_438] : memref<1664xi32, #tpu.memory_space<vmem>> -> memref<128xi32, #tpu.memory_space<vmem>>
      %dma_wait3A_440 = arith.constant 0 : i32
      %dma_wait3A_441 = arith.constant 0 : i32
      %dma_wait3A_442 = tpu.memref_slice %arg3[%dma_wait3A_440, %dma_wait3A_441] : memref<1000000x16xf32, #tpu.memory_space<hbm>> -> memref<1000000x16xf32, #tpu.memory_space<hbm>>
      tpu.wait_indirect_dma semaphore(%arg11 : memref<!tpu.dma_semaphore, #tpu.memory_space<semaphore_mem>>) src(%dma_wait3A_442 : memref<1000000x16xf32, #tpu.memory_space<hbm>>) dst(%dma_wait3A_437 : memref<128x16xf32, #tpu.memory_space<vmem>>)
      %dma_wait3A_443 = arith.constant 1536 : i32
      %dma_wait3A_444 = arith.constant 0 : i32
      %dma_wait3A_445 = tpu.memref_slice %arg8[%dma_wait3A_443, %dma_wait3A_444] : memref<1664x16xf32, #tpu.memory_space<vmem>> -> memref<128x16xf32, #tpu.memory_space<vmem>>
      %dma_wait3A_446 = arith.constant 1536 : i32
      %dma_wait3A_447 = tpu.memref_slice %arg6[%dma_wait3A_446] : memref<1664xi32, #tpu.memory_space<vmem>> -> memref<128xi32, #tpu.memory_space<vmem>>
      %dma_wait3A_448 = arith.constant 0 : i32
      %dma_wait3A_449 = arith.constant 0 : i32
      %dma_wait3A_450 = tpu.memref_slice %arg3[%dma_wait3A_448, %dma_wait3A_449] : memref<1000000x16xf32, #tpu.memory_space<hbm>> -> memref<1000000x16xf32, #tpu.memory_space<hbm>>
      tpu.wait_indirect_dma semaphore(%arg11 : memref<!tpu.dma_semaphore, #tpu.memory_space<semaphore_mem>>) src(%dma_wait3A_450 : memref<1000000x16xf32, #tpu.memory_space<hbm>>) dst(%dma_wait3A_445 : memref<128x16xf32, #tpu.memory_space<vmem>>)
      %add3A_451 = arith.constant 1 : i32
      %add3A_452 = arith.addi %mul3A_117, %add3A_451 : i32
      %scan3A_453 = arith.constant 0 : i32
      %scan3A_454 = arith.constant 0 : i32
      %scan3A_455 = arith.constant 64 : i32
      %scan3A_456 = arith.addi %scan3A_454, %scan3A_455 : i32
      %scan3A_457 = arith.constant 1 : i32
      scf.for %scan3A_464 = %scan3A_454 to %scan3A_456 step %scan3A_457  : i32 {
        %mul3A_465 = arith.constant 26 : i32
        %mul3A_466 = arith.muli %scan3A_464, %mul3A_465 : i32
        %get3A = arith.index_cast %mul3A_466 : i32 to index
        %get3A_467 = arith.constant 0 : index
        %get3A_468 = tpu.vector_load %arg8[%get3A, %get3A_467] {strides = array<i32>} : memref<1664x16xf32, #tpu.memory_space<vmem>>, vector<1x16xf32>,
        %get3A_469 = vector.shape_cast %get3A_468 : vector<1x16xf32> to vector<16xf32>
        %add3A_470 = arith.constant 1 : i32
        %add3A_471 = arith.addi %mul3A_466, %add3A_470 : i32
        %get3A_472 = arith.index_cast %add3A_471 : i32 to index
        %get3A_473 = arith.constant 0 : index
        %get3A_474 = tpu.vector_load %arg8[%get3A_472, %get3A_473] {strides = array<i32>} : memref<1664x16xf32, #tpu.memory_space<vmem>>, vector<1x16xf32>,
        %get3A_475 = vector.shape_cast %get3A_474 : vector<1x16xf32> to vector<16xf32>
        %add3A_476 = arith.addf %get3A_469, %get3A_475 : vector<16xf32>
        %add3A_477 = arith.constant 2 : i32
        %add3A_478 = arith.addi %mul3A_466, %add3A_477 : i32
        %get3A_479 = arith.index_cast %add3A_478 : i32 to index
        %get3A_480 = arith.constant 0 : index
        %get3A_481 = tpu.vector_load %arg8[%get3A_479, %get3A_480] {strides = array<i32>} : memref<1664x16xf32, #tpu.memory_space<vmem>>, vector<1x16xf32>,
        %get3A_482 = vector.shape_cast %get3A_481 : vector<1x16xf32> to vector<16xf32>
        %add3A_483 = arith.addf %add3A_476, %get3A_482 : vector<16xf32>
        %add3A_484 = arith.constant 3 : i32
        %add3A_485 = arith.addi %mul3A_466, %add3A_484 : i32
        %get3A_486 = arith.index_cast %add3A_485 : i32 to index
        %get3A_487 = arith.constant 0 : index
        %get3A_488 = tpu.vector_load %arg8[%get3A_486, %get3A_487] {strides = array<i32>} : memref<1664x16xf32, #tpu.memory_space<vmem>>, vector<1x16xf32>,
        %get3A_489 = vector.shape_cast %get3A_488 : vector<1x16xf32> to vector<16xf32>
        %add3A_490 = arith.addf %add3A_483, %get3A_489 : vector<16xf32>
        %add3A_491 = arith.constant 4 : i32
        %add3A_492 = arith.addi %mul3A_466, %add3A_491 : i32
        %get3A_493 = arith.index_cast %add3A_492 : i32 to index
        %get3A_494 = arith.constant 0 : index
        %get3A_495 = tpu.vector_load %arg8[%get3A_493, %get3A_494] {strides = array<i32>} : memref<1664x16xf32, #tpu.memory_space<vmem>>, vector<1x16xf32>,
        %get3A_496 = vector.shape_cast %get3A_495 : vector<1x16xf32> to vector<16xf32>
        %add3A_497 = arith.addf %add3A_490, %get3A_496 : vector<16xf32>
        %add3A_498 = arith.constant 5 : i32
        %add3A_499 = arith.addi %mul3A_466, %add3A_498 : i32
        %get3A_500 = arith.index_cast %add3A_499 : i32 to index
        %get3A_501 = arith.constant 0 : index
        %get3A_502 = tpu.vector_load %arg8[%get3A_500, %get3A_501] {strides = array<i32>} : memref<1664x16xf32, #tpu.memory_space<vmem>>, vector<1x16xf32>,
        %get3A_503 = vector.shape_cast %get3A_502 : vector<1x16xf32> to vector<16xf32>
        %add3A_504 = arith.addf %add3A_497, %get3A_503 : vector<16xf32>
        %add3A_505 = arith.constant 6 : i32
        %add3A_506 = arith.addi %mul3A_466, %add3A_505 : i32
        %get3A_507 = arith.index_cast %add3A_506 : i32 to index
        %get3A_508 = arith.constant 0 : index
        %get3A_509 = tpu.vector_load %arg8[%get3A_507, %get3A_508] {strides = array<i32>} : memref<1664x16xf32, #tpu.memory_space<vmem>>, vector<1x16xf32>,
        %get3A_510 = vector.shape_cast %get3A_509 : vector<1x16xf32> to vector<16xf32>
        %add3A_511 = arith.addf %add3A_504, %get3A_510 : vector<16xf32>
        %add3A_512 = arith.constant 7 : i32
        %add3A_513 = arith.addi %mul3A_466, %add3A_512 : i32
        %get3A_514 = arith.index_cast %add3A_513 : i32 to index
        %get3A_515 = arith.constant 0 : index
        %get3A_516 = tpu.vector_load %arg8[%get3A_514, %get3A_515] {strides = array<i32>} : memref<1664x16xf32, #tpu.memory_space<vmem>>, vector<1x16xf32>,
        %get3A_517 = vector.shape_cast %get3A_516 : vector<1x16xf32> to vector<16xf32>
        %add3A_518 = arith.addf %add3A_511, %get3A_517 : vector<16xf32>
        %add3A_519 = arith.constant 8 : i32
        %add3A_520 = arith.addi %mul3A_466, %add3A_519 : i32
        %get3A_521 = arith.index_cast %add3A_520 : i32 to index
        %get3A_522 = arith.constant 0 : index
        %get3A_523 = tpu.vector_load %arg8[%get3A_521, %get3A_522] {strides = array<i32>} : memref<1664x16xf32, #tpu.memory_space<vmem>>, vector<1x16xf32>,
        %get3A_524 = vector.shape_cast %get3A_523 : vector<1x16xf32> to vector<16xf32>
        %add3A_525 = arith.addf %add3A_518, %get3A_524 : vector<16xf32>
        %add3A_526 = arith.constant 9 : i32
        %add3A_527 = arith.addi %mul3A_466, %add3A_526 : i32
        %get3A_528 = arith.index_cast %add3A_527 : i32 to index
        %get3A_529 = arith.constant 0 : index
        %get3A_530 = tpu.vector_load %arg8[%get3A_528, %get3A_529] {strides = array<i32>} : memref<1664x16xf32, #tpu.memory_space<vmem>>, vector<1x16xf32>,
        %get3A_531 = vector.shape_cast %get3A_530 : vector<1x16xf32> to vector<16xf32>
        %add3A_532 = arith.addf %add3A_525, %get3A_531 : vector<16xf32>
        %add3A_533 = arith.constant 10 : i32
        %add3A_534 = arith.addi %mul3A_466, %add3A_533 : i32
        %get3A_535 = arith.index_cast %add3A_534 : i32 to index
        %get3A_536 = arith.constant 0 : index
        %get3A_537 = tpu.vector_load %arg8[%get3A_535, %get3A_536] {strides = array<i32>} : memref<1664x16xf32, #tpu.memory_space<vmem>>, vector<1x16xf32>,
        %get3A_538 = vector.shape_cast %get3A_537 : vector<1x16xf32> to vector<16xf32>
        %add3A_539 = arith.addf %add3A_532, %get3A_538 : vector<16xf32>
        %add3A_540 = arith.constant 11 : i32
        %add3A_541 = arith.addi %mul3A_466, %add3A_540 : i32
        %get3A_542 = arith.index_cast %add3A_541 : i32 to index
        %get3A_543 = arith.constant 0 : index
        %get3A_544 = tpu.vector_load %arg8[%get3A_542, %get3A_543] {strides = array<i32>} : memref<1664x16xf32, #tpu.memory_space<vmem>>, vector<1x16xf32>,
        %get3A_545 = vector.shape_cast %get3A_544 : vector<1x16xf32> to vector<16xf32>
        %add3A_546 = arith.addf %add3A_539, %get3A_545 : vector<16xf32>
        %add3A_547 = arith.constant 12 : i32
        %add3A_548 = arith.addi %mul3A_466, %add3A_547 : i32
        %get3A_549 = arith.index_cast %add3A_548 : i32 to index
        %get3A_550 = arith.constant 0 : index
        %get3A_551 = tpu.vector_load %arg8[%get3A_549, %get3A_550] {strides = array<i32>} : memref<1664x16xf32, #tpu.memory_space<vmem>>, vector<1x16xf32>,
        %get3A_552 = vector.shape_cast %get3A_551 : vector<1x16xf32> to vector<16xf32>
        %add3A_553 = arith.addf %add3A_546, %get3A_552 : vector<16xf32>
        %add3A_554 = arith.constant 13 : i32
        %add3A_555 = arith.addi %mul3A_466, %add3A_554 : i32
        %get3A_556 = arith.index_cast %add3A_555 : i32 to index
        %get3A_557 = arith.constant 0 : index
        %get3A_558 = tpu.vector_load %arg8[%get3A_556, %get3A_557] {strides = array<i32>} : memref<1664x16xf32, #tpu.memory_space<vmem>>, vector<1x16xf32>,
        %get3A_559 = vector.shape_cast %get3A_558 : vector<1x16xf32> to vector<16xf32>
        %add3A_560 = arith.addf %add3A_553, %get3A_559 : vector<16xf32>
        %add3A_561 = arith.constant 14 : i32
        %add3A_562 = arith.addi %mul3A_466, %add3A_561 : i32
        %get3A_563 = arith.index_cast %add3A_562 : i32 to index
        %get3A_564 = arith.constant 0 : index
        %get3A_565 = tpu.vector_load %arg8[%get3A_563, %get3A_564] {strides = array<i32>} : memref<1664x16xf32, #tpu.memory_space<vmem>>, vector<1x16xf32>,
        %get3A_566 = vector.shape_cast %get3A_565 : vector<1x16xf32> to vector<16xf32>
        %add3A_567 = arith.addf %add3A_560, %get3A_566 : vector<16xf32>
        %add3A_568 = arith.constant 15 : i32
        %add3A_569 = arith.addi %mul3A_466, %add3A_568 : i32
        %get3A_570 = arith.index_cast %add3A_569 : i32 to index
        %get3A_571 = arith.constant 0 : index
        %get3A_572 = tpu.vector_load %arg8[%get3A_570, %get3A_571] {strides = array<i32>} : memref<1664x16xf32, #tpu.memory_space<vmem>>, vector<1x16xf32>,
        %get3A_573 = vector.shape_cast %get3A_572 : vector<1x16xf32> to vector<16xf32>
        %add3A_574 = arith.addf %add3A_567, %get3A_573 : vector<16xf32>
        %add3A_575 = arith.constant 16 : i32
        %add3A_576 = arith.addi %mul3A_466, %add3A_575 : i32
        %get3A_577 = arith.index_cast %add3A_576 : i32 to index
        %get3A_578 = arith.constant 0 : index
        %get3A_579 = tpu.vector_load %arg8[%get3A_577, %get3A_578] {strides = array<i32>} : memref<1664x16xf32, #tpu.memory_space<vmem>>, vector<1x16xf32>,
        %get3A_580 = vector.shape_cast %get3A_579 : vector<1x16xf32> to vector<16xf32>
        %add3A_581 = arith.addf %add3A_574, %get3A_580 : vector<16xf32>
        %add3A_582 = arith.constant 17 : i32
        %add3A_583 = arith.addi %mul3A_466, %add3A_582 : i32
        %get3A_584 = arith.index_cast %add3A_583 : i32 to index
        %get3A_585 = arith.constant 0 : index
        %get3A_586 = tpu.vector_load %arg8[%get3A_584, %get3A_585] {strides = array<i32>} : memref<1664x16xf32, #tpu.memory_space<vmem>>, vector<1x16xf32>,
        %get3A_587 = vector.shape_cast %get3A_586 : vector<1x16xf32> to vector<16xf32>
        %add3A_588 = arith.addf %add3A_581, %get3A_587 : vector<16xf32>
        %add3A_589 = arith.constant 18 : i32
        %add3A_590 = arith.addi %mul3A_466, %add3A_589 : i32
        %get3A_591 = arith.index_cast %add3A_590 : i32 to index
        %get3A_592 = arith.constant 0 : index
        %get3A_593 = tpu.vector_load %arg8[%get3A_591, %get3A_592] {strides = array<i32>} : memref<1664x16xf32, #tpu.memory_space<vmem>>, vector<1x16xf32>,
        %get3A_594 = vector.shape_cast %get3A_593 : vector<1x16xf32> to vector<16xf32>
        %add3A_595 = arith.addf %add3A_588, %get3A_594 : vector<16xf32>
        %add3A_596 = arith.constant 19 : i32
        %add3A_597 = arith.addi %mul3A_466, %add3A_596 : i32
        %get3A_598 = arith.index_cast %add3A_597 : i32 to index
        %get3A_599 = arith.constant 0 : index
        %get3A_600 = tpu.vector_load %arg8[%get3A_598, %get3A_599] {strides = array<i32>} : memref<1664x16xf32, #tpu.memory_space<vmem>>, vector<1x16xf32>,
        %get3A_601 = vector.shape_cast %get3A_600 : vector<1x16xf32> to vector<16xf32>
        %add3A_602 = arith.addf %add3A_595, %get3A_601 : vector<16xf32>
        %add3A_603 = arith.constant 20 : i32
        %add3A_604 = arith.addi %mul3A_466, %add3A_603 : i32
        %get3A_605 = arith.index_cast %add3A_604 : i32 to index
        %get3A_606 = arith.constant 0 : index
        %get3A_607 = tpu.vector_load %arg8[%get3A_605, %get3A_606] {strides = array<i32>} : memref<1664x16xf32, #tpu.memory_space<vmem>>, vector<1x16xf32>,
        %get3A_608 = vector.shape_cast %get3A_607 : vector<1x16xf32> to vector<16xf32>
        %add3A_609 = arith.addf %add3A_602, %get3A_608 : vector<16xf32>
        %add3A_610 = arith.constant 21 : i32
        %add3A_611 = arith.addi %mul3A_466, %add3A_610 : i32
        %get3A_612 = arith.index_cast %add3A_611 : i32 to index
        %get3A_613 = arith.constant 0 : index
        %get3A_614 = tpu.vector_load %arg8[%get3A_612, %get3A_613] {strides = array<i32>} : memref<1664x16xf32, #tpu.memory_space<vmem>>, vector<1x16xf32>,
        %get3A_615 = vector.shape_cast %get3A_614 : vector<1x16xf32> to vector<16xf32>
        %add3A_616 = arith.addf %add3A_609, %get3A_615 : vector<16xf32>
        %add3A_617 = arith.constant 22 : i32
        %add3A_618 = arith.addi %mul3A_466, %add3A_617 : i32
        %get3A_619 = arith.index_cast %add3A_618 : i32 to index
        %get3A_620 = arith.constant 0 : index
        %get3A_621 = tpu.vector_load %arg8[%get3A_619, %get3A_620] {strides = array<i32>} : memref<1664x16xf32, #tpu.memory_space<vmem>>, vector<1x16xf32>,
        %get3A_622 = vector.shape_cast %get3A_621 : vector<1x16xf32> to vector<16xf32>
        %add3A_623 = arith.addf %add3A_616, %get3A_622 : vector<16xf32>
        %add3A_624 = arith.constant 23 : i32
        %add3A_625 = arith.addi %mul3A_466, %add3A_624 : i32
        %get3A_626 = arith.index_cast %add3A_625 : i32 to index
        %get3A_627 = arith.constant 0 : index
        %get3A_628 = tpu.vector_load %arg8[%get3A_626, %get3A_627] {strides = array<i32>} : memref<1664x16xf32, #tpu.memory_space<vmem>>, vector<1x16xf32>,
        %get3A_629 = vector.shape_cast %get3A_628 : vector<1x16xf32> to vector<16xf32>
        %add3A_630 = arith.addf %add3A_623, %get3A_629 : vector<16xf32>
        %add3A_631 = arith.constant 24 : i32
        %add3A_632 = arith.addi %mul3A_466, %add3A_631 : i32
        %get3A_633 = arith.index_cast %add3A_632 : i32 to index
        %get3A_634 = arith.constant 0 : index
        %get3A_635 = tpu.vector_load %arg8[%get3A_633, %get3A_634] {strides = array<i32>} : memref<1664x16xf32, #tpu.memory_space<vmem>>, vector<1x16xf32>,
        %get3A_636 = vector.shape_cast %get3A_635 : vector<1x16xf32> to vector<16xf32>
        %add3A_637 = arith.addf %add3A_630, %get3A_636 : vector<16xf32>
        %add3A_638 = arith.constant 25 : i32
        %add3A_639 = arith.addi %mul3A_466, %add3A_638 : i32
        %get3A_640 = arith.index_cast %add3A_639 : i32 to index
        %get3A_641 = arith.constant 0 : index
        %get3A_642 = tpu.vector_load %arg8[%get3A_640, %get3A_641] {strides = array<i32>} : memref<1664x16xf32, #tpu.memory_space<vmem>>, vector<1x16xf32>,
        %get3A_643 = vector.shape_cast %get3A_642 : vector<1x16xf32> to vector<16xf32>
        %add3A_644 = arith.addf %add3A_637, %get3A_643 : vector<16xf32>
        %mul3A_645 = arith.constant 16 : i32
        %mul3A_646 = arith.muli %scan3A_464, %mul3A_645 : i32
        %swap3A = arith.index_cast %mul3A_646 : i32 to index
        %swap3A_647 = tpu.vector_load %arg9[%swap3A] {strides = array<i32>} : memref<1024xf32, #tpu.memory_space<vmem>>, vector<16xf32>,
        %swap3A_648 = vector.shape_cast %swap3A_647 : vector<16xf32> to vector<16xf32>
        %swap3A_649 = vector.shape_cast %add3A_644 : vector<16xf32> to vector<16xf32>
        tpu.vector_store %arg9[%swap3A], %swap3A_649 {strides = array<i32>} : memref<1024xf32, #tpu.memory_space<vmem>>, vector<16xf32>,
      }
      %scan3A_458 = arith.constant 64 : i32
      %mul3A_459 = arith.constant 8 : i32
      %mul3A_460 = arith.muli %add3A, %mul3A_459 : i32
      %add3A_461 = arith.addi %mul3A_460, %add3A_452 : i32
      %mul3A_462 = arith.constant 1024 : i32
      %mul3A_463 = arith.muli %add3A_461, %mul3A_462 : i32
      "tpu.region"() ({
        %run_scoped3A = tpu.sem_alloc : memref<!tpu.dma_semaphore, #tpu.memory_space<semaphore_mem>>
        %dma_start3A_464 = tpu.memref_slice %arg4[%mul3A_463] : memref<262144xf32, #tpu.memory_space<hbm>> -> memref<1024xf32, #tpu.memory_space<hbm>>
        %dma_start3A_465 = tpu.memref_slice %arg4[%mul3A_463] : memref<262144xf32, #tpu.memory_space<hbm>> -> memref<1024xf32, #tpu.memory_space<hbm>>
        tpu.enqueue_dma source(%arg9 : memref<1024xf32, #tpu.memory_space<vmem>>) target(%dma_start3A_465 : memref<1024xf32, #tpu.memory_space<hbm>>) target_semaphore(%run_scoped3A : memref<!tpu.dma_semaphore, #tpu.memory_space<semaphore_mem>>)
        %dma_wait3A_466 = tpu.memref_slice %arg4[%mul3A_463] : memref<262144xf32, #tpu.memory_space<hbm>> -> memref<1024xf32, #tpu.memory_space<hbm>>
        %dma_wait3A_467 = tpu.memref_slice %arg4[%mul3A_463] : memref<262144xf32, #tpu.memory_space<hbm>> -> memref<1024xf32, #tpu.memory_space<hbm>>
        tpu.wait_dma2 semaphore(%run_scoped3A : memref<!tpu.dma_semaphore, #tpu.memory_space<semaphore_mem>>) src(%arg9 : memref<1024xf32, #tpu.memory_space<vmem>>) dst(%dma_wait3A_467 : memref<1024xf32, #tpu.memory_space<hbm>>)
        tpu.yield
      }) : () -> ()
    }
    %scan3A_114 = arith.constant 4 : i32
    return
  }
}

module attributes {stable_mosaic.version = 14 : i64} {
  func.func @_ln_body(%arg0: memref<16384x16xf32, #tpu.memory_space<vmem>>, %arg1: memref<1x16xf32, #tpu.memory_space<vmem>>, %arg2: memref<1x16xf32, #tpu.memory_space<vmem>>, %arg3: memref<16384x16xf32, #tpu.memory_space<vmem>>) attributes {dimension_semantics = [], scalar_prefetch = 0 : i64, scratch_operands = 0 : i64, tpu.core_type = #tpu.core_type<tc>} {
    %get3A = arith.constant 0 : index
    %get3A_0 = arith.constant 0 : index
    %get3A_1 = vector.load %arg0[%get3A, %get3A_0] : memref<16384x16xf32, #tpu.memory_space<vmem>>, vector<16384x16xf32>
    %reduce_sum3A = arith.constant dense<0.000000e+00> : vector<16384xf32>
    %reduce_sum3A_2 = vector.multi_reduction <add>, %get3A_1, %reduce_sum3A [1] : vector<16384x16xf32> to vector<16384xf32>
    %broadcast_in_dim3A = vector.shape_cast %reduce_sum3A_2 : vector<16384xf32> to vector<16384x1xf32>
    %div3A = arith.constant 1.600000e+01 : f32
    %div3A_3 = vector.broadcast %div3A : f32 to vector<16384x1xf32>
    %div3A_4 = arith.divf %broadcast_in_dim3A, %div3A_3 : vector<16384x1xf32>
    %sub3A = vector.broadcast %div3A_4 : vector<16384x1xf32> to vector<16384x16xf32>
    %sub3A_5 = arith.subf %get3A_1, %sub3A : vector<16384x16xf32>
    %mul3A = arith.mulf %sub3A_5, %sub3A_5 : vector<16384x16xf32>
    %reduce_sum3A_6 = arith.constant dense<0.000000e+00> : vector<16384xf32>
    %reduce_sum3A_7 = vector.multi_reduction <add>, %mul3A, %reduce_sum3A_6 [1] : vector<16384x16xf32> to vector<16384xf32>
    %broadcast_in_dim3A_8 = vector.shape_cast %reduce_sum3A_7 : vector<16384xf32> to vector<16384x1xf32>
    %div3A_9 = arith.constant 1.600000e+01 : f32
    %div3A_10 = vector.broadcast %div3A_9 : f32 to vector<16384x1xf32>
    %div3A_11 = arith.divf %broadcast_in_dim3A_8, %div3A_10 : vector<16384x1xf32>
    %add3A = arith.constant 9.99999974E-6 : f32
    %add3A_12 = vector.broadcast %add3A : f32 to vector<16384x1xf32>
    %add3A_13 = arith.addf %div3A_11, %add3A_12 : vector<16384x1xf32>
    %rsqrt3A = math.rsqrt %add3A_13 : vector<16384x1xf32>
    %mul3A_14 = vector.broadcast %rsqrt3A : vector<16384x1xf32> to vector<16384x16xf32>
    %mul3A_15 = arith.mulf %sub3A_5, %mul3A_14 : vector<16384x16xf32>
    %get3A_16 = arith.constant 0 : index
    %get3A_17 = arith.constant 0 : index
    %get3A_18 = vector.load %arg1[%get3A_16, %get3A_17] : memref<1x16xf32, #tpu.memory_space<vmem>>, vector<1x16xf32>
    %mul3A_19 = vector.broadcast %get3A_18 : vector<1x16xf32> to vector<16384x16xf32>
    %mul3A_20 = arith.mulf %mul3A_15, %mul3A_19 : vector<16384x16xf32>
    %get3A_21 = arith.constant 0 : index
    %get3A_22 = arith.constant 0 : index
    %get3A_23 = vector.load %arg2[%get3A_21, %get3A_22] : memref<1x16xf32, #tpu.memory_space<vmem>>, vector<1x16xf32>
    %add3A_24 = vector.broadcast %get3A_23 : vector<1x16xf32> to vector<16384x16xf32>
    %add3A_25 = arith.addf %mul3A_20, %add3A_24 : vector<16384x16xf32>
    %swap3A = arith.constant 0 : index
    %swap3A_26 = arith.constant 0 : index
    %swap3A_27 = vector.load %arg3[%swap3A, %swap3A_26] : memref<16384x16xf32, #tpu.memory_space<vmem>>, vector<16384x16xf32>
    tpu.vector_store %arg3[%swap3A, %swap3A_26], %add3A_25 {strides = array<i32>} : memref<16384x16xf32, #tpu.memory_space<vmem>>, vector<16384x16xf32>,
    return
  }
}

</mosaic_0001>

<sc_bundles>
// kernel: kernel.4.cloned.1.call-start
scs
__scs_entry_jumppad:
0x0: {  	(pc) =	sbr.rel $0x88, $3  }
0x1: {  	(tag) =	ssettag $0x0;
	lr =	simm.s32 $0x1  }
0x2: {  	[smem:$0x3F9D] =	sst lr;
	_ =	strace $0xD0000000  }
0x3: {  	_ = 	snop  }
0x4: {  	_ = 	snop  }
0x5: {  	_ = 	snop  }
0x6: {  	_ = 	snop  }
0x7: {  	_ = 	snop  }
__scs_overlays_trampoline_lowered:
0x8: {  	[smem:$0x3FAC] =	sst s0  }
0x9: {  	[smem:$0x3FAD] =	sst s1  }
0xa: {  	[smem:$0x3FAE] =	sst s2  }
0xb: {  	[smem:$0x3FAF] =	sst s3  }
0xc: {  	[smem:$0x3FB0] =	sst s4  }
0xd: {  	[smem:$0x3FB1] =	sst s5  }
0xe: {  	[smem:$0x3FB2] =	sst s6  }
0xf: {  	[smem:$0x3FB3] =	sst s7  }
0x10: {  	[smem:$0x3FB4] =	sst s8  }
0x11: {  	[smem:$0x3FB5] =	sst s9;
	s0 =	simm.s32 @!p0 $0x0  }
0x12: {  	s1 =	sld [smem:$0x3F9B];
	s0 =	simm.s32 @p0 $0x1  }
0x13: {  	[smem:$0x3FB6] =	sst s0;
	s0 =	simm.s32 @!p1 $0x0  }
0x14: {  	s2 =	sld [smem:$0x3F9A];
	s0 =	simm.s32 @p1 $0x1  }
0x15: {  	[smem:$0x3FB7] =	sst s0;
	s0 =	simm.s32 @!p2 $0x0  }
0x16: {  	s3 =	sld [smem:$0x3FDB];
	s0 =	simm.s32 @p2 $0x1  }
0x17: {  	s4 =	simm.s32 $0x1BF5;
	[smem:$0x3FB9] =	sst s0  }
0x18: {  	s0 =	sld [smem:$0x3F9C];
	_ =	swait.ge [sflag:s4], $0x0  }
0x19: {  	s7 =	sld [smem:$0x3F9D]  }
0x1a: {  	s8 =	sadd.s32 $0xFFFFE003, lr  }
0x1b: {  	s9 =	sadd.s32 $0xFFFFFEF7, lr;
	s5 =	simm.s32 $0xFFFFFFFF;
	p2 =	slt.u32 s8, $0xFFFFF086  }
0x1c: {  	p1 =	slt.u32 s9, $0xF7A;
	s5 =	simm.s32 @!p2 $0x0  }
0x1d: {  	s5 =	simm.s32 @p1 $0x1;
	p0 =	seq.s32 s7, s2  }
0x1e: {  	s7 =	smul.u32 @!p0 $0xF7A, s2;
	p2 =	seq.s32 @!p0 s5, $0x0  }
0x1f: {  	s9 =	smul.u32 $0xF7A, s1;
	s8 =	simm.s32 @!p0 $0x1BF5;
	p2 =	por !p2, p0  }
0x20: {  	[sflag:s8] =	ssyncset.s32 @!p0 $0xFFFFF086;
	s6 =	sadd.s32 @!p0 s3, s7;
	s7 =	simm.s32 @!p0 $0x108  }
0x21: {  	s3 =	sadd.s32 s3, s9;
	s6 =	sadd.s32 @!p0 $0x88, s6;
	s7 =	simm.s32 @p2 $0x1082  }
0x22: {  	[simem:s7], [sflag:s8] =	dma.local @!p0 [hbm:s6], $0xF7A  }
0x23: {  	s9 =	sor.u32 $0xD0000000, s2;
	s6 =	simm.s32 $0x108;
	_ =	swait.ge @!p0 [sflag:s8], $0x0  }
0x24: {  	s3 =	sadd.s32 $0x88, s3;
	s6 =	simm.s32 @!p1 $0x1082;
	[sflag:s4] =	ssyncset.s32 $0xFFFFF086  }
0x25: {  	[simem:s6], [sflag:s4] =	dma.local [hbm:s3], $0xF7A  }
0x26: {  	[smem:$0x3F9D] =	sst s1;
	(tag) =	ssettag s2;
	_ =	strace s9  }
0x27: {  	s1 =	sld [smem:$0x3FAD]  }
0x28: {  	s2 =	sld [smem:$0x3FAE]  }
0x29: {  	s4 =	sld [smem:$0x3FB0]  }
0x2a: {  	p0 =	seq.s32 s5, $0x0;
	s5 =	sld [smem:$0x3FB1]  }
0x2b: {  	s6 =	sld [smem:$0x3FB2]  }
0x2c: {  	s7 =	sld [smem:$0x3FB3]  }
0x2d: {  	s3 =	simm.s32 $0x108;
	s8 =	sld [smem:$0x3FB4]  }
0x2e: {  	s3 =	simm.s32 @!p0 $0x1082;
	s9 =	sld [smem:$0x3FB5]  }
0x2f: {  	lr =	sadd.s32 s0, s3;
	s0 =	sld [smem:$0x3FAC]  }
0x30: {  	s3 =	sld [smem:$0x3FAF]  }
0x31: {  	[smem:$0x3FB8] =	sst s10  }
0x32: {  	s10 =	sld [smem:$0x3FB6];
	_ =	sdelay $0x3  }
0x33: {  	p0 =	seq.s32 s10, $0x1;
	s10 =	sld [smem:$0x3FB8];
	_ =	sdelay $0x3  }
0x34: {  	[smem:$0x3FB8] =	sst s10  }
0x35: {  	s10 =	sld [smem:$0x3FB7];
	_ =	sdelay $0x3  }
0x36: {  	p1 =	seq.s32 s10, $0x1;
	s10 =	sld [smem:$0x3FB8];
	_ =	sdelay $0x3  }
0x37: {  	[smem:$0x3FB8] =	sst s10  }
0x38: {  	s10 =	sld [smem:$0x3FB9]  }
0x39: {  	_ = 	snop;
	(pc) =	sbr.ind lr, $3  }
0x3a: {  	_ = 	snop  }
0x3b: {  	_ = 	snop  }
0x3c: {  	p2 =	seq.s32 s10, $0x1;
	s10 =	sld [smem:$0x3FB8]  }
0x3d: {  	_ =	shalt  }
0x3e: {  	_ =	shalt  }
0x3f: {  	_ =	shalt  }
0x40: {  	_ =	shalt  }
0x41: {  	_ =	shalt  }
0x42: {  	_ =	shalt  }
0x43: {  	_ =	shalt  }
0x44: {  	_ =	shalt  }
0x45: {  	_ =	shalt  }
0x46: {  	_ =	shalt  }
0x47: {  	_ =	shalt  }
0x48: {  	_ =	shalt  }
0x49: {  	_ =	shalt  }
0x4a: {  	_ =	shalt  }
0x4b: {  	_ =	shalt  }
0x4c: {  	_ =	shalt  }
0x4d: {  	_ =	shalt  }
0x4e: {  	_ =	shalt  }
0x4f: {  	_ =	shalt  }
0x50: {  	_ =	shalt  }
0x51: {  	_ =	shalt  }
0x52: {  	_ =	shalt  }
0x53: {  	_ =	shalt  }
0x54: {  	_ =	shalt  }
0x55: {  	_ =	shalt  }
0x56: {  	_ =	shalt  }
0x57: {  	_ =	shalt  }
0x58: {  	_ =	shalt  }
0x59: {  	_ =	shalt  }
0x5a: {  	_ =	shalt  }
0x5b: {  	_ =	shalt  }
0x5c: {  	_ =	shalt  }
0x5d: {  	_ =	shalt  }
0x5e: {  	_ =	shalt  }
0x5f: {  	_ =	shalt  }
0x60: {  	_ =	shalt  }
0x61: {  	_ =	shalt  }
0x62: {  	_ =	shalt  }
0x63: {  	_ =	shalt  }
0x64: {  	_ =	shalt  }
0x65: {  	_ =	shalt  }
0x66: {  	_ =	shalt  }
0x67: {  	_ =	shalt  }
0x68: {  	_ =	shalt  }
0x69: {  	_ =	shalt  }
0x6a: {  	_ =	shalt  }
0x6b: {  	_ =	shalt  }
0x6c: {  	_ =	shalt  }
0x6d: {  	_ =	shalt  }
0x6e: {  	_ =	shalt  }
0x6f: {  	_ =	shalt  }
0x70: {  	_ =	shalt  }
0x71: {  	_ =	shalt  }
0x72: {  	_ =	shalt  }
0x73: {  	_ =	shalt  }
0x74: {  	_ =	shalt  }
0x75: {  	_ =	shalt  }
0x76: {  	_ =	shalt  }
0x77: {  	_ =	shalt  }
0x78: {  	_ =	shalt  }
0x79: {  	_ =	shalt  }
0x7a: {  	_ =	shalt  }
0x7b: {  	_ =	shalt  }
0x7c: {  	_ =	shalt  }
0x7d: {  	_ =	shalt  }
0x7e: {  	_ =	shalt  }
0x7f: {  	_ =	shalt  }
0x80: {  	_ =	shalt  }
0x81: {  	_ =	shalt  }
0x82: {  	_ =	shalt  }
0x83: {  	_ =	shalt  }
0x84: {  	_ =	shalt  }
0x85: {  	_ =	shalt  }
0x86: {  	_ =	shalt  }
0x87: {  	_ =	shalt  }
.Lfunc_end0:
.L_simem_size_0:
called_computation_lowered:
.L_overlay_start_0:
0x88: {  	s2 =	sld [smem:$0x3FD9]  }
0x89: {  	s3 =	sld [smem:$0x3FFE];
	_ =	sdelay $0x1  }
0x8a: {  	s1 =	srdreg.scid  }
0x8b: {  	s0 =	sand.u32 $0x1, s1  }
0x8c: {  	s17 =	sshll.u32 s0, $0xA;
	s2 =	sadd.s32 s3, s2  }
0x8d: {  	s2 =	sadd.s32 s2, s17  }
0x8e: {  	[smem:$0x3FC4] =	sst s2  }
0x8f: {  	_ = 	snop  }
0x90: {  	s2 =	sld [smem:$0x3FD0];
	(tm) =	ssettm $0x1  }
0x91: {  	s18 =	sld [smem:$0x3FFB];
	_ =	sdelay $0x3  }
0x92: {  	_ =	strace s18  }
0x93: {  	s3 =	sld [smem:$0x3FFC];
	_ =	sdelay $0x3  }
0x94: {  	_ =	strace s3  }
0x95: {  	s3 =	sld [smem:$0x3FFD];
	_ =	sdelay $0x3  }
0x96: {  	_ =	strace s3  }
0x97: {  	_ =	strace $0x8FFFFFFF  }
0x98: {  	s19 =	sld [smem:$0x3FDB];
	_ =	sdelay $0x1  }
0x99: {  	s4 =	simm.s32 $_scs_section_size  }
0x9a: {  	s5 =	simm.s32 $_size__tile_overlayer_lowered;
	s6 =	simm.s32 $_tile_overlayer_lowered  }
0x9b: {  	s22 =	simm.s32 $0x1BFF;
	s21 =	sshll.u32 s6, $0x1;
	s3 =	sadd.s32 s4, s19  }
0x9c: {  	s7 =	simm.s32 $0x0;
	s20 =	sshll.u32 s5, $0x1;
	s5 =	sadd.s32 s21, s3  }
0x9d: {  	[timem:s7], [sflag:s22] =	dma.local [hbm:s5], s20  }
0x9e: {  	_ =	swait.ge [sflag:s22], s20  }
0x9f: {  	s4 =	ssub.s32 $0x0, s20;
	[sflag:s22] =	ssyncset.done $0x0  }
0xa0: {  	[sflag:s22] =	ssyncadd.s32 s4;
	_ =	sdelay $0x1  }
0xa1: {  	s23 =	simm.s32 $0x1B8B  }
0xa2: {  	_ =	swait.ge [sflag:s23], $0x1  }
0xa3: {  	[sflag:s23] =	ssyncset.done $0x0  }
0xa4: {  	s25 =	simm.s32 $0x1B8E;
	s24 =	sld [smem:$0x3FFE];
	[sflag:s23] =	ssyncadd.s32 $0xFFFFFFFF  }
0xa5: {  	s26 =	simm.s32 $execute0_lowered;
	[smem:$0x3FD2] =	sst s25  }
0xa6: {  	s5 =	sshll.u32 s26, $0x1;
	_ =	strace $0x80000046;
	[dreg:$0x1] =	wrdreg $0xFFFFFFFF  }
0xa7: {  	s28 =	simm.s32 $_size_execute0_lowered;
	s3 =	sadd.s32 s3, s5;
	[dreg:$0x0] =	wrdreg $0x0  }
0xa8: {  	s5 =	sshll.u32 s28, $0x1;
	[dreg:$0x2] =	wrdreg s3  }
0xa9: {  	[dreg:$0x3] =	wrdreg s5  }
0xaa: {  	[dreg:$0x4] =	wrdreg $0xC0  }
0xab: {  	_ =	task [dreg:s7], $0x5FFFF  }
0xac: {  	[dreg:$0x1] =	wrdreg $0xFFFFFFFF  }
0xad: {  	[dreg:$0x0] =	wrdreg $0x60  }
0xae: {  	[dreg:$0x2] =	wrdreg s24  }
0xaf: {  	[dreg:$0x3] =	wrdreg s2  }
0xb0: {  	[dreg:$0x4] =	wrdreg $0x9  }
0xb1: {  	_ =	task.clear_ibuf [dreg:s7], $0x5FFFF;
	_ =	strace $0x90000046  }
0xb2: {  	s29 =	simm.s32 $0x9;
	_ =	strace $0x80000048  }
0xb3: {  	_ =	swait.ge [sflag:s29], $0x1  }
0xb4: {  	[sflag:s29] =	ssyncadd.s32 $0xFFFFFFFF  }
0xb5: {  	_ =	strace $0x90000048  }
0xb6: {  	_ =	sfence  }
0xb7: {  	s30 =	sld [smem:$0x0];
	_ =	sdelay $0x2  }
0xb8: {  	s31 =	sshll.u32 s1, $0xD;
	s1 =	sshrl.u32 s1, $0x2  }
0xb9: {  	s3 =	sand.u32 $0x4000, s31;
	s1 =	sadd.s32 s1, s30  }
0xba: {  	s0 =	sor.u32 s3, s0;
	s1 =	sshll.u32 s1, $0x11  }
0xbb: {  	s0 =	sor.u32 s1, s0  }
0xbc: {  	s0 =	sadd.s32 $0x8F2B, s0  }
0xbd: {  	[sflag:s0] =	ssyncadd.remote.s32 $0x1  }
0xbe: {  	_ =	sfence.sel $0xFFFF  }
0xbf: {  	[dreg:$0x0] =	wrdreg $0xFFFFFFFF;
	(pc) =	sbr.abs _section_cstart, $3  }
0xc0: {  	[dreg:$0x1] =	wrdreg $0xFFFFFFFF  }
0xc1: {  	_ =	task.clear_ibuf [dreg:s7], $0x2FFFF;
	_ =	strace $0x9FFFFFFF  }
0xc2: {  	(tm) =	ssettm $0x7FFFFFFF  }
0xc3: {  	_ =	shalt  }
tec
execute0_lowered:
.L_overlay_start_1:
0x0: {  	(tag) =	ssettag $0x1  }
0x1: {  	s0 =	rddreg [dreg:$0x0]  }
0x2: {  	s2 =	rddreg [dreg:$0x1]  }
0x3: {  	s3 =	simm.s32 $0x0;
	s1 =	srdreg.scid;
	s4 =	stileid.u32  }
0x4: {  	s11 =	simm.s32 $0x3;
	s12 =	simm.s32 $0x80;
	s17 =	simm.s32 $0x680  }
0x5: {  	s13 =	simm.s32 $0xA80;
	s14 =	simm.s32 $0xB500;
	s15 =	simm.s32 $0xB00  }
0x6: {  	s16 =	simm.s32 $0xBD00;
	s10 =	simm.s32 $0xC500;
	s18 =	simm.s32 $0xC00  }
0x7: {  	s19 =	simm.s32 $0xCD00;
	s20 =	simm.s32 $0xC80;
	s21 =	simm.s32 $0xD500  }
0x8: {  	s22 =	simm.s32 $0x1;
	s23 =	simm.s32 $0xDD00;
	s24 =	simm.s32 $0x2  }
0x9: {  	s25 =	simm.s32 $0x0;
	s1 =	sand.u32 $0x1, s1;
	s4 =	sshll.u32 s4, $0x1  }
0xa: {  	[smem:$0x7FF] =	sst s3;
	s6 =	ssub.s32 $0x2, s1;
	s1 =	sor.u32 s1, s4  }
0xb: {  	s5 =	sadd.s32 $0xF42E00, s0;
	s7 =	sshrl.u32 s6, $0x1;
	s8 =	smul.u32 $0x680, s1  }
0xc: {  	_ =	strace $0x80000047;
	s4 =	sadd.s32 $0xA00, s0;
	s30 =	ssub.s32 s6, s7  }
0xd: {  	s6 =	sshll.u32 s1, $0x3;
	s1 =	simm.s32 $0xAD00;
	s31 =	sadd.s32 s4, s8  }
0xe: {  	s7 =	simm.s32 $0xB80;
	s0 =	smax.u32 s30, $0x1;
	[dreg:$0x3] =	wrdreg s31  }
0xf: {  	s8 =	sor.u32 $0x1, s6;
	s9 =	sor.u32 $0x2, s6;
	[dreg:$0x4] =	wrdreg s0  }
.LBB2_1:
0x10: {  	[dreg:$0x5] =	wrdreg s25  }
0x11: {  	s0 =	rddreg [dreg:$0x3]  }
0x12: {  	[tilespmem:s3], [sflag:$0x3] =	stream.linear.gather [hbm4b:s0+s3], $0x680, $0x38;
	[tilespmem:$0xE100] =	vst v63  }
0x13: {  	_ =	swait.ge [sflag:s11], $0x680  }
0x14: {  	[sflag:s11] =	ssyncset.done $0x0  }
0x15: {  	s25 =	simm.s32 $0xD00;
	[sflag:s11] =	ssyncadd.s32 $0xFFFFF980  }
0x16: {  	[tilespmem:s25], [sflag:$0x1] =	stream.indirect.gather [hbm4b:s5+s12], $0x10, s3, s12, $0xb8;
	[tilespmem:$0xE100] =	vst v63  }
0x17: {  	s26 =	simm.s32 $0x1500  }
0x18: {  	[tilespmem:s26], [sflag:$0x1] =	stream.indirect.gather [hbm4b:s5+s12], $0x10, s12, s12, $0xb8;
	[tilespmem:$0xE100] =	vst v63  }
0x19: {  	s28 =	simm.s32 $0x100;
	s29 =	simm.s32 $0x1D00  }
0x1a: {  	[tilespmem:s29], [sflag:$0x1] =	stream.indirect.gather [hbm4b:s5+s12], $0x10, s28, s12, $0xb8;
	[tilespmem:$0xE100] =	vst v63  }
0x1b: {  	s30 =	simm.s32 $0x180;
	s31 =	simm.s32 $0x2500  }
0x1c: {  	[tilespmem:s31], [sflag:$0x1] =	stream.indirect.gather [hbm4b:s5+s12], $0x10, s30, s12, $0xb8;
	[tilespmem:$0xE100] =	vst v63  }
0x1d: {  	s25 =	simm.s32 $0x200;
	s26 =	simm.s32 $0x2D00  }
0x1e: {  	[tilespmem:s26], [sflag:$0x1] =	stream.indirect.gather [hbm4b:s5+s12], $0x10, s25, s12, $0xb8;
	[tilespmem:$0xE100] =	vst v63  }
0x1f: {  	s28 =	simm.s32 $0x280;
	s29 =	simm.s32 $0x3500  }
0x20: {  	[tilespmem:s29], [sflag:$0x1] =	stream.indirect.gather [hbm4b:s5+s12], $0x10, s28, s12, $0xb8;
	[tilespmem:$0xE100] =	vst v63  }
0x21: {  	s30 =	simm.s32 $0x300;
	s31 =	simm.s32 $0x3D00  }
0x22: {  	[tilespmem:s31], [sflag:$0x1] =	stream.indirect.gather [hbm4b:s5+s12], $0x10, s30, s12, $0xb8;
	[tilespmem:$0xE100] =	vst v63  }
0x23: {  	s25 =	simm.s32 $0x380;
	s26 =	simm.s32 $0x4500  }
0x24: {  	[tilespmem:s26], [sflag:$0x1] =	stream.indirect.gather [hbm4b:s5+s12], $0x10, s25, s12, $0xb8;
	[tilespmem:$0xE100] =	vst v63  }
0x25: {  	s28 =	simm.s32 $0x400;
	s29 =	simm.s32 $0x4D00  }
0x26: {  	[tilespmem:s29], [sflag:$0x1] =	stream.indirect.gather [hbm4b:s5+s12], $0x10, s28, s12, $0xb8;
	[tilespmem:$0xE100] =	vst v63  }
0x27: {  	s30 =	simm.s32 $0x480;
	s31 =	simm.s32 $0x5500  }
0x28: {  	[tilespmem:s31], [sflag:$0x1] =	stream.indirect.gather [hbm4b:s5+s12], $0x10, s30, s12, $0xb8;
	[tilespmem:$0xE100] =	vst v63  }
0x29: {  	s25 =	simm.s32 $0x500;
	s26 =	simm.s32 $0x5D00  }
0x2a: {  	[tilespmem:s26], [sflag:$0x1] =	stream.indirect.gather [hbm4b:s5+s12], $0x10, s25, s12, $0xb8;
	[tilespmem:$0xE100] =	vst v63  }
0x2b: {  	s28 =	simm.s32 $0x580;
	s29 =	simm.s32 $0x6500  }
0x2c: {  	[tilespmem:s29], [sflag:$0x1] =	stream.indirect.gather [hbm4b:s5+s12], $0x10, s28, s12, $0xb8;
	[tilespmem:$0xE100] =	vst v63  }
0x2d: {  	s30 =	simm.s32 $0x600;
	s31 =	simm.s32 $0x6D00;
	s25 =	simm.s32 $0x0  }
0x2e: {  	[tilespmem:s31], [sflag:$0x1] =	stream.indirect.gather [hbm4b:s5+s12], $0x10, s30, s12, $0xb8;
	[tilespmem:$0xE100] =	vst v63  }
.LBB2_2:
0x2f: {  	s28 =	sshll.u32 s25, $0x1  }
0x30: {  	s26 =	sor.u32 s8, s28  }
0x31: {  	s29 =	smul.u32 $0xD0, s26;
	_ =	sdelay $0x1  }
0x32: {  	s30 =	sadd.s32 s4, s29;
	s29 =	simm.s32 $0x0  }
0x33: {  	[tilespmem:s17], [sflag:$0x3] =	stream.linear.gather [hbm4b:s30+s29], $0x680, $0x38;
	[tilespmem:$0xE100] =	vst v63  }
0x34: {  	_ =	swait.ge [sflag:s11], $0x680  }
0x35: {  	[sflag:s11] =	ssyncset.done $0x0  }
0x36: {  	s0 =	simm.s32 $0x7500;
	[sflag:s11] =	ssyncadd.s32 $0xFFFFF980  }
0x37: {  	[tilespmem:s0], [sflag:$0x2] =	stream.indirect.gather [hbm4b:s5+s12], $0x10, s17, s12, $0xb8;
	[tilespmem:$0xE100] =	vst v63  }
0x38: {  	s30 =	simm.s32 $0x7D00;
	s0 =	simm.s32 $0x700  }
0x39: {  	[tilespmem:s30], [sflag:$0x2] =	stream.indirect.gather [hbm4b:s5+s12], $0x10, s0, s12, $0xb8;
	[tilespmem:$0xE100] =	vst v63  }
0x3a: {  	s0 =	simm.s32 $0x780;
	s30 =	simm.s32 $0x8500  }
0x3b: {  	[tilespmem:s30], [sflag:$0x2] =	stream.indirect.gather [hbm4b:s5+s12], $0x10, s0, s12, $0xb8;
	[tilespmem:$0xE100] =	vst v63  }
0x3c: {  	s0 =	simm.s32 $0x800;
	s30 =	simm.s32 $0x8D00  }
0x3d: {  	[tilespmem:s30], [sflag:$0x2] =	stream.indirect.gather [hbm4b:s5+s12], $0x10, s0, s12, $0xb8;
	[tilespmem:$0xE100] =	vst v63  }
0x3e: {  	s0 =	simm.s32 $0x880;
	s30 =	simm.s32 $0x9500  }
0x3f: {  	[tilespmem:s30], [sflag:$0x2] =	stream.indirect.gather [hbm4b:s5+s12], $0x10, s0, s12, $0xb8;
	[tilespmem:$0xE100] =	vst v63  }
0x40: {  	s0 =	simm.s32 $0x900;
	s30 =	simm.s32 $0x9D00  }
0x41: {  	[tilespmem:s30], [sflag:$0x2] =	stream.indirect.gather [hbm4b:s5+s12], $0x10, s0, s12, $0xb8;
	[tilespmem:$0xE100] =	vst v63  }
0x42: {  	s0 =	simm.s32 $0x980;
	s30 =	simm.s32 $0xA500  }
0x43: {  	[tilespmem:s30], [sflag:$0x2] =	stream.indirect.gather [hbm4b:s5+s12], $0x10, s0, s12, $0xb8;
	[tilespmem:$0xE100] =	vst v63  }
0x44: {  	s0 =	simm.s32 $0xA00  }
0x45: {  	[tilespmem:s1], [sflag:$0x2] =	stream.indirect.gather [hbm4b:s5+s12], $0x10, s0, s12, $0xb8;
	[tilespmem:$0xE100] =	vst v63  }
0x46: {  	_ = 	snop  }
0x47: {  	[tilespmem:s14], [sflag:$0x2] =	stream.indirect.gather [hbm4b:s5+s12], $0x10, s13, s12, $0xb8;
	[tilespmem:$0xE100] =	vst v63  }
0x48: {  	_ = 	snop  }
0x49: {  	[tilespmem:s16], [sflag:$0x2] =	stream.indirect.gather [hbm4b:s5+s12], $0x10, s15, s12, $0xb8;
	[tilespmem:$0xE100] =	vst v63  }
0x4a: {  	_ = 	snop  }
0x4b: {  	[tilespmem:s10], [sflag:$0x2] =	stream.indirect.gather [hbm4b:s5+s12], $0x10, s7, s12, $0xb8;
	[tilespmem:$0xE100] =	vst v63  }
0x4c: {  	_ = 	snop  }
0x4d: {  	[tilespmem:s19], [sflag:$0x2] =	stream.indirect.gather [hbm4b:s5+s12], $0x10, s18, s12, $0xb8;
	[tilespmem:$0xE100] =	vst v63  }
0x4e: {  	_ = 	snop  }
0x4f: {  	[tilespmem:s21], [sflag:$0x2] =	stream.indirect.gather [hbm4b:s5+s12], $0x10, s20, s12, $0xb8;
	[tilespmem:$0xE100] =	vst v63  }
0x50: {  	_ =	swait.ge [sflag:s22], $0x800  }
0x51: {  	[sflag:s22] =	ssyncset.done $0x0  }
0x52: {  	[sflag:s22] =	ssyncadd.s32 $0xFFFFF800  }
0x53: {  	_ =	swait.ge [sflag:s22], $0x800  }
0x54: {  	[sflag:s22] =	ssyncset.done $0x0  }
0x55: {  	[sflag:s22] =	ssyncadd.s32 $0xFFFFF800  }
0x56: {  	_ =	swait.ge [sflag:s22], $0x800  }
0x57: {  	[sflag:s22] =	ssyncset.done $0x0  }
0x58: {  	[sflag:s22] =	ssyncadd.s32 $0xFFFFF800  }
0x59: {  	_ =	swait.ge [sflag:s22], $0x800  }
0x5a: {  	[sflag:s22] =	ssyncset.done $0x0  }
0x5b: {  	[sflag:s22] =	ssyncadd.s32 $0xFFFFF800  }
0x5c: {  	_ =	swait.ge [sflag:s22], $0x800  }
0x5d: {  	[sflag:s22] =	ssyncset.done $0x0  }
0x5e: {  	[sflag:s22] =	ssyncadd.s32 $0xFFFFF800  }
0x5f: {  	_ =	swait.ge [sflag:s22], $0x800  }
0x60: {  	[sflag:s22] =	ssyncset.done $0x0  }
0x61: {  	[sflag:s22] =	ssyncadd.s32 $0xFFFFF800  }
0x62: {  	_ =	swait.ge [sflag:s22], $0x800  }
0x63: {  	[sflag:s22] =	ssyncset.done $0x0  }
0x64: {  	[sflag:s22] =	ssyncadd.s32 $0xFFFFF800  }
0x65: {  	_ =	swait.ge [sflag:s22], $0x800  }
0x66: {  	[sflag:s22] =	ssyncset.done $0x0  }
0x67: {  	[sflag:s22] =	ssyncadd.s32 $0xFFFFF800  }
0x68: {  	_ =	swait.ge [sflag:s22], $0x800  }
0x69: {  	[sflag:s22] =	ssyncset.done $0x0  }
0x6a: {  	[sflag:s22] =	ssyncadd.s32 $0xFFFFF800  }
0x6b: {  	_ =	swait.ge [sflag:s22], $0x800  }
0x6c: {  	[sflag:s22] =	ssyncset.done $0x0  }
0x6d: {  	[sflag:s22] =	ssyncadd.s32 $0xFFFFF800  }
0x6e: {  	_ =	swait.ge [sflag:s22], $0x800  }
0x6f: {  	[sflag:s22] =	ssyncset.done $0x0  }
0x70: {  	[sflag:s22] =	ssyncadd.s32 $0xFFFFF800  }
0x71: {  	_ =	swait.ge [sflag:s22], $0x800  }
0x72: {  	[sflag:s22] =	ssyncset.done $0x0  }
0x73: {  	[sflag:s22] =	ssyncadd.s32 $0xFFFFF800  }
0x74: {  	_ =	swait.ge [sflag:s22], $0x800  }
0x75: {  	[sflag:s22] =	ssyncset.done $0x0  }
0x76: {  	s30 =	simm.s32 $0xDD0;
	[sflag:s22] =	ssyncadd.s32 $0xFFFFF800  }
0x77: {  	v0 =	vld [tilespmem:s30+$0xFFFFFF40]  }
0x78: {  	s31 =	simm.s32 $0x40;
	v1 =	vld [tilespmem:s30+$0xFFFFFF30]  }
.LBB2_3:
0x79: {  	p0 =	sne.s32 s31, $0xFC0  }
0x7a: {  	v2 =	vld [tilespmem:s30+$0xFFFFFF50];
	_ =	sdelay $0x1  }
0x7b: {  	v3 =	vld [tilespmem:s30+$0xFFFFFF60]  }
0x7c: {  	v0 =	vadd.f32 v0, v1  }
0x7d: {  	v1 =	vld [tilespmem:s30+$0xFFFFFF70]  }
0x7e: {  	v0 =	vadd.f32 v2, v0  }
0x7f: {  	v2 =	vld [tilespmem:s30+$0xFFFFFF80]  }
0x80: {  	v0 =	vadd.f32 v3, v0  }
0x81: {  	v3 =	vld [tilespmem:s30+$0xFFFFFF90]  }
0x82: {  	v0 =	vadd.f32 v1, v0  }
0x83: {  	v1 =	vld [tilespmem:s30+$0xFFFFFFA0]  }
0x84: {  	v0 =	vadd.f32 v2, v0  }
0x85: {  	v2 =	vld [tilespmem:s30+$0xFFFFFFB0]  }
0x86: {  	v0 =	vadd.f32 v3, v0  }
0x87: {  	v3 =	vld [tilespmem:s30+$0xFFFFFFC0]  }
0x88: {  	v0 =	vadd.f32 v1, v0  }
0x89: {  	v1 =	vld [tilespmem:s30+$0xFFFFFFD0]  }
0x8a: {  	v0 =	vadd.f32 v2, v0  }
0x8b: {  	v2 =	vld [tilespmem:s30+$0xFFFFFFE0]  }
0x8c: {  	v0 =	vadd.f32 v3, v0  }
0x8d: {  	v3 =	vld [tilespmem:s30+$0xFFFFFFF0]  }
0x8e: {  	v0 =	vadd.f32 v1, v0  }
0x8f: {  	v1 =	vld [tilespmem:s30+$0x0]  }
0x90: {  	v0 =	vadd.f32 v2, v0  }
0x91: {  	v2 =	vld [tilespmem:s30+$0x10]  }
0x92: {  	v0 =	vadd.f32 v3, v0  }
0x93: {  	v3 =	vld [tilespmem:s30+$0x20]  }
0x94: {  	v0 =	vadd.f32 v1, v0  }
0x95: {  	v1 =	vld [tilespmem:s30+$0x30]  }
0x96: {  	v0 =	vadd.f32 v2, v0  }
0x97: {  	v2 =	vld [tilespmem:s30+$0x40]  }
0x98: {  	v0 =	vadd.f32 v3, v0  }
0x99: {  	v3 =	vld [tilespmem:s30+$0x50]  }
0x9a: {  	v0 =	vadd.f32 v1, v0  }
0x9b: {  	v1 =	vld [tilespmem:s30+$0x60]  }
0x9c: {  	v0 =	vadd.f32 v2, v0  }
0x9d: {  	v2 =	vld [tilespmem:s30+$0x70]  }
0x9e: {  	v0 =	vadd.f32 v3, v0  }
0x9f: {  	v3 =	vld [tilespmem:s30+$0x80]  }
0xa0: {  	v0 =	vadd.f32 v1, v0  }
0xa1: {  	v1 =	vld [tilespmem:s30+$0x90]  }
0xa2: {  	v0 =	vadd.f32 v2, v0  }
0xa3: {  	v2 =	vld [tilespmem:s30+$0xA0]  }
0xa4: {  	v0 =	vadd.f32 v3, v0  }
0xa5: {  	v3 =	vld [tilespmem:s30+$0xB0]  }
0xa6: {  	v0 =	vadd.f32 v1, v0  }
0xa7: {  	v1 =	vld [tilespmem:s30+$0xC0]  }
0xa8: {  	v0 =	vadd.f32 v2, v0;
	_ =	sdelay $0x1  }
0xa9: {  	v0 =	vadd.f32 v3, v0;
	_ =	sdelay $0x1  }
.Ltmp0:
0xaa: {  	v0 =	vadd.f32 v1, v0;
	(pc) =	sbr.rel @p0 .LBB2_3-.Ltmp0, $4  }
0xab: {  	s0 =	sshra.s32 s29, $0x2;
	s29 =	smov.u32 s31  }
0xac: {  	s30 =	sadd.s32 $0x1A0, s30;
	[tilespmem:s0+$0xDD00] =	vst v0  }
0xad: {  	v0 =	vld [tilespmem:s30+$0xFFFFFF40]  }
0xae: {  	s31 =	sadd.s32 $0x40, s31;
	v1 =	vld [tilespmem:s30+$0xFFFFFF30]  }
0xaf: {  	_ = 	snop  }
0xb0: {  	v2 =	vld [tilespmem:s30+$0xFFFFFF50];
	_ =	sdelay $0x1  }
0xb1: {  	v3 =	vld [tilespmem:s30+$0xFFFFFF60]  }
0xb2: {  	v0 =	vadd.f32 v0, v1  }
0xb3: {  	v1 =	vld [tilespmem:s30+$0xFFFFFF70]  }
0xb4: {  	v0 =	vadd.f32 v2, v0  }
0xb5: {  	v2 =	vld [tilespmem:s30+$0xFFFFFF80]  }
0xb6: {  	v0 =	vadd.f32 v3, v0  }
0xb7: {  	v3 =	vld [tilespmem:s30+$0xFFFFFF90]  }
0xb8: {  	v0 =	vadd.f32 v1, v0  }
0xb9: {  	v1 =	vld [tilespmem:s30+$0xFFFFFFA0]  }
0xba: {  	v0 =	vadd.f32 v2, v0  }
0xbb: {  	v2 =	vld [tilespmem:s30+$0xFFFFFFB0]  }
0xbc: {  	v0 =	vadd.f32 v3, v0  }
0xbd: {  	v3 =	vld [tilespmem:s30+$0xFFFFFFC0]  }
0xbe: {  	v0 =	vadd.f32 v1, v0  }
0xbf: {  	v1 =	vld [tilespmem:s30+$0xFFFFFFD0]  }
0xc0: {  	v0 =	vadd.f32 v2, v0  }
0xc1: {  	v2 =	vld [tilespmem:s30+$0xFFFFFFE0]  }
0xc2: {  	v0 =	vadd.f32 v3, v0  }
0xc3: {  	v3 =	vld [tilespmem:s30+$0xFFFFFFF0]  }
0xc4: {  	v0 =	vadd.f32 v1, v0  }
0xc5: {  	v1 =	vld [tilespmem:s30+$0x0]  }
0xc6: {  	v0 =	vadd.f32 v2, v0  }
0xc7: {  	v2 =	vld [tilespmem:s30+$0x10]  }
0xc8: {  	v0 =	vadd.f32 v3, v0  }
0xc9: {  	v3 =	vld [tilespmem:s30+$0x20]  }
0xca: {  	v0 =	vadd.f32 v1, v0  }
0xcb: {  	v1 =	vld [tilespmem:s30+$0x30]  }
0xcc: {  	v0 =	vadd.f32 v2, v0  }
0xcd: {  	v2 =	vld [tilespmem:s30+$0x40]  }
0xce: {  	v0 =	vadd.f32 v3, v0  }
0xcf: {  	v3 =	vld [tilespmem:s30+$0x50]  }
0xd0: {  	v0 =	vadd.f32 v1, v0  }
0xd1: {  	v1 =	vld [tilespmem:s30+$0x60]  }
0xd2: {  	v0 =	vadd.f32 v2, v0  }
0xd3: {  	v2 =	vld [tilespmem:s30+$0x70]  }
0xd4: {  	v0 =	vadd.f32 v3, v0  }
0xd5: {  	v3 =	vld [tilespmem:s30+$0x80]  }
0xd6: {  	v0 =	vadd.f32 v1, v0  }
0xd7: {  	v1 =	vld [tilespmem:s30+$0x90]  }
0xd8: {  	v0 =	vadd.f32 v2, v0  }
0xd9: {  	v2 =	vld [tilespmem:s30+$0xA0]  }
0xda: {  	v0 =	vadd.f32 v3, v0  }
0xdb: {  	v3 =	vld [tilespmem:s30+$0xB0]  }
0xdc: {  	v0 =	vadd.f32 v1, v0  }
0xdd: {  	v1 =	vld [tilespmem:s30+$0xC0]  }
0xde: {  	v0 =	vadd.f32 v2, v0;
	_ =	sdelay $0x1  }
0xdf: {  	v0 =	vadd.f32 v3, v0;
	_ =	sdelay $0x1  }
0xe0: {  	s0 =	sadd.s32 s6, s28;
	v0 =	vadd.f32 v1, v0  }
0xe1: {  	s29 =	sshra.s32 s29, $0x2;
	s0 =	sshll.u32 s0, $0x7  }
0xe2: {  	p0 =	seq.s32 s25, $0x3;
	s0 =	sadd.s32 s2, s0;
	[tilespmem:s29+$0xDD00] =	vst v0  }
0xe3: {  	[hbm4b:s0+s3] =	stream.linear.scatter [tilespmem:s23], [sflag:$0x3], $0x400, $0x38;
	[tilespmem:$0xE100] =	vst v63  }
0xe4: {  	s0 =	sadd.s32 @!p0 s28, s9  }
0xe5: {  	_ =	swait.ge [sflag:s11], $0x400;
	s0 =	smul.u32 @!p0 $0xD0, s0  }
0xe6: {  	[sflag:s11] =	ssyncset.done $0x0  }
0xe7: {  	s28 =	simm.s32 @!p0 $0x0;
	[sflag:s11] =	ssyncadd.s32 $0xFFFFFC00;
	s0 =	sadd.s32 @!p0 s4, s0  }
0xe8: {  	[tilespmem:s28], [sflag:$0x3] =	stream.linear.gather @!p0 [hbm4b:s0+s28], $0x680, $0x38;
	[tilespmem:$0xE100] =	vst v63  }
0xe9: {  	s0 =	simm.s32 @!p0 $0x3  }
0xea: {  	_ =	swait.ge @!p0 [sflag:s0], $0x680  }
0xeb: {  	[sflag:s0] =	ssyncset.done @!p0 $0x0  }
0xec: {  	s29 =	simm.s32 @!p0 $0xD00;
	[sflag:s0] =	ssyncadd.s32 @!p0 $0xFFFFF980;
	s0 =	simm.s32 @!p0 $0x80  }
0xed: {  	[tilespmem:s29], [sflag:$0x1] =	stream.indirect.gather @!p0 [hbm4b:s5+s0], $0x10, s28, s0, $0xb8;
	[tilespmem:$0xE100] =	vst v63  }
0xee: {  	s28 =	simm.s32 @!p0 $0x1500  }
0xef: {  	[tilespmem:s28], [sflag:$0x1] =	stream.indirect.gather @!p0 [hbm4b:s5+s0], $0x10, s0, s0, $0xb8;
	[tilespmem:$0xE100] =	vst v63  }
0xf0: {  	s29 =	simm.s32 @!p0 $0x1D00;
	s28 =	simm.s32 @!p0 $0x100  }
0xf1: {  	[tilespmem:s29], [sflag:$0x1] =	stream.indirect.gather @!p0 [hbm4b:s5+s0], $0x10, s28, s0, $0xb8;
	[tilespmem:$0xE100] =	vst v63  }
0xf2: {  	s28 =	simm.s32 @!p0 $0x180;
	s29 =	simm.s32 @!p0 $0x2500  }
0xf3: {  	[tilespmem:s29], [sflag:$0x1] =	stream.indirect.gather @!p0 [hbm4b:s5+s0], $0x10, s28, s0, $0xb8;
	[tilespmem:$0xE100] =	vst v63  }
0xf4: {  	s28 =	simm.s32 @!p0 $0x200;
	s29 =	simm.s32 @!p0 $0x2D00  }
0xf5: {  	[tilespmem:s29], [sflag:$0x1] =	stream.indirect.gather @!p0 [hbm4b:s5+s0], $0x10, s28, s0, $0xb8;
	[tilespmem:$0xE100] =	vst v63  }
0xf6: {  	s28 =	simm.s32 @!p0 $0x280;
	s29 =	simm.s32 @!p0 $0x3500  }
0xf7: {  	[tilespmem:s29], [sflag:$0x1] =	stream.indirect.gather @!p0 [hbm4b:s5+s0], $0x10, s28, s0, $0xb8;
	[tilespmem:$0xE100] =	vst v63  }
0xf8: {  	s28 =	simm.s32 @!p0 $0x300;
	s29 =	simm.s32 @!p0 $0x3D00  }
0xf9: {  	[tilespmem:s29], [sflag:$0x1] =	stream.indirect.gather @!p0 [hbm4b:s5+s0], $0x10, s28, s0, $0xb8;
	[tilespmem:$0xE100] =	vst v63  }
0xfa: {  	s28 =	simm.s32 @!p0 $0x380;
	s29 =	simm.s32 @!p0 $0x4500  }
0xfb: {  	[tilespmem:s29], [sflag:$0x1] =	stream.indirect.gather @!p0 [hbm4b:s5+s0], $0x10, s28, s0, $0xb8;
	[tilespmem:$0xE100] =	vst v63  }
0xfc: {  	s28 =	simm.s32 @!p0 $0x400;
	s29 =	simm.s32 @!p0 $0x4D00  }
0xfd: {  	[tilespmem:s29], [sflag:$0x1] =	stream.indirect.gather @!p0 [hbm4b:s5+s0], $0x10, s28, s0, $0xb8;
	[tilespmem:$0xE100] =	vst v63  }
0xfe: {  	s28 =	simm.s32 @!p0 $0x480;
	s29 =	simm.s32 @!p0 $0x5500  }
0xff: {  	[tilespmem:s29], [sflag:$0x1] =	stream.indirect.gather @!p0 [hbm4b:s5+s0], $0x10, s28, s0, $0xb8;
	[tilespmem:$0xE100] =	vst v63  }
0x100: {  	s28 =	simm.s32 @!p0 $0x500;
	s29 =	simm.s32 @!p0 $0x5D00  }
0x101: {  	[tilespmem:s29], [sflag:$0x1] =	stream.indirect.gather @!p0 [hbm4b:s5+s0], $0x10, s28, s0, $0xb8;
	[tilespmem:$0xE100] =	vst v63  }
0x102: {  	s28 =	simm.s32 @!p0 $0x580;
	s29 =	simm.s32 @!p0 $0x6500  }
0x103: {  	[tilespmem:s29], [sflag:$0x1] =	stream.indirect.gather @!p0 [hbm4b:s5+s0], $0x10, s28, s0, $0xb8;
	[tilespmem:$0xE100] =	vst v63  }
0x104: {  	s28 =	simm.s32 @!p0 $0x600;
	s29 =	simm.s32 @!p0 $0x6D00  }
0x105: {  	[tilespmem:s29], [sflag:$0x1] =	stream.indirect.gather @!p0 [hbm4b:s5+s0], $0x10, s28, s0, $0xb8;
	[tilespmem:$0xE100] =	vst v63  }
0x106: {  	_ =	swait.ge [sflag:s24], $0x800  }
0x107: {  	[sflag:s24] =	ssyncset.done $0x0  }
0x108: {  	[sflag:s24] =	ssyncadd.s32 $0xFFFFF800  }
0x109: {  	_ =	swait.ge [sflag:s24], $0x800  }
0x10a: {  	[sflag:s24] =	ssyncset.done $0x0  }
0x10b: {  	[sflag:s24] =	ssyncadd.s32 $0xFFFFF800  }
0x10c: {  	_ =	swait.ge [sflag:s24], $0x800  }
0x10d: {  	[sflag:s24] =	ssyncset.done $0x0  }
0x10e: {  	[sflag:s24] =	ssyncadd.s32 $0xFFFFF800  }
0x10f: {  	_ =	swait.ge [sflag:s24], $0x800  }
0x110: {  	[sflag:s24] =	ssyncset.done $0x0  }
0x111: {  	[sflag:s24] =	ssyncadd.s32 $0xFFFFF800  }
0x112: {  	_ =	swait.ge [sflag:s24], $0x800  }
0x113: {  	[sflag:s24] =	ssyncset.done $0x0  }
0x114: {  	[sflag:s24] =	ssyncadd.s32 $0xFFFFF800  }
0x115: {  	_ =	swait.ge [sflag:s24], $0x800  }
0x116: {  	[sflag:s24] =	ssyncset.done $0x0  }
0x117: {  	[sflag:s24] =	ssyncadd.s32 $0xFFFFF800  }
0x118: {  	_ =	swait.ge [sflag:s24], $0x800  }
0x119: {  	[sflag:s24] =	ssyncset.done $0x0  }
0x11a: {  	[sflag:s24] =	ssyncadd.s32 $0xFFFFF800  }
0x11b: {  	_ =	swait.ge [sflag:s24], $0x800  }
0x11c: {  	[sflag:s24] =	ssyncset.done $0x0  }
0x11d: {  	[sflag:s24] =	ssyncadd.s32 $0xFFFFF800  }
0x11e: {  	_ =	swait.ge [sflag:s24], $0x800  }
0x11f: {  	[sflag:s24] =	ssyncset.done $0x0  }
0x120: {  	[sflag:s24] =	ssyncadd.s32 $0xFFFFF800  }
0x121: {  	_ =	swait.ge [sflag:s24], $0x800  }
0x122: {  	[sflag:s24] =	ssyncset.done $0x0  }
0x123: {  	[sflag:s24] =	ssyncadd.s32 $0xFFFFF800  }
0x124: {  	_ =	swait.ge [sflag:s24], $0x800  }
0x125: {  	[sflag:s24] =	ssyncset.done $0x0  }
0x126: {  	[sflag:s24] =	ssyncadd.s32 $0xFFFFF800  }
0x127: {  	_ =	swait.ge [sflag:s24], $0x800  }
0x128: {  	[sflag:s24] =	ssyncset.done $0x0  }
0x129: {  	[sflag:s24] =	ssyncadd.s32 $0xFFFFF800  }
0x12a: {  	_ =	swait.ge [sflag:s24], $0x800  }
0x12b: {  	[sflag:s24] =	ssyncset.done $0x0  }
0x12c: {  	s29 =	simm.s32 $0x75D0;
	[sflag:s24] =	ssyncadd.s32 $0xFFFFF800  }
0x12d: {  	v0 =	vld [tilespmem:s29+$0xFFFFFF40]  }
0x12e: {  	s30 =	simm.s32 $0x40;
	s28 =	simm.s32 $0x0;
	v1 =	vld [tilespmem:s29+$0xFFFFFF30]  }
.LBB2_5:
0x12f: {  	p0 =	sne.s32 s30, $0xFC0  }
0x130: {  	v2 =	vld [tilespmem:s29+$0xFFFFFF50];
	_ =	sdelay $0x1  }
0x131: {  	v3 =	vld [tilespmem:s29+$0xFFFFFF60]  }
0x132: {  	v0 =	vadd.f32 v0, v1  }
0x133: {  	v1 =	vld [tilespmem:s29+$0xFFFFFF70]  }
0x134: {  	v0 =	vadd.f32 v2, v0  }
0x135: {  	v2 =	vld [tilespmem:s29+$0xFFFFFF80]  }
0x136: {  	v0 =	vadd.f32 v3, v0  }
0x137: {  	v3 =	vld [tilespmem:s29+$0xFFFFFF90]  }
0x138: {  	v0 =	vadd.f32 v1, v0  }
0x139: {  	v1 =	vld [tilespmem:s29+$0xFFFFFFA0]  }
0x13a: {  	v0 =	vadd.f32 v2, v0  }
0x13b: {  	v2 =	vld [tilespmem:s29+$0xFFFFFFB0]  }
0x13c: {  	v0 =	vadd.f32 v3, v0  }
0x13d: {  	v3 =	vld [tilespmem:s29+$0xFFFFFFC0]  }
0x13e: {  	v0 =	vadd.f32 v1, v0  }
0x13f: {  	v1 =	vld [tilespmem:s29+$0xFFFFFFD0]  }
0x140: {  	v0 =	vadd.f32 v2, v0  }
0x141: {  	v2 =	vld [tilespmem:s29+$0xFFFFFFE0]  }
0x142: {  	v0 =	vadd.f32 v3, v0  }
0x143: {  	v3 =	vld [tilespmem:s29+$0xFFFFFFF0]  }
0x144: {  	v0 =	vadd.f32 v1, v0  }
0x145: {  	v1 =	vld [tilespmem:s29+$0x0]  }
0x146: {  	v0 =	vadd.f32 v2, v0  }
0x147: {  	v2 =	vld [tilespmem:s29+$0x10]  }
0x148: {  	v0 =	vadd.f32 v3, v0  }
0x149: {  	v3 =	vld [tilespmem:s29+$0x20]  }
0x14a: {  	v0 =	vadd.f32 v1, v0  }
0x14b: {  	v1 =	vld [tilespmem:s29+$0x30]  }
0x14c: {  	v0 =	vadd.f32 v2, v0  }
0x14d: {  	v2 =	vld [tilespmem:s29+$0x40]  }
0x14e: {  	v0 =	vadd.f32 v3, v0  }
0x14f: {  	v3 =	vld [tilespmem:s29+$0x50]  }
0x150: {  	v0 =	vadd.f32 v1, v0  }
0x151: {  	v1 =	vld [tilespmem:s29+$0x60]  }
0x152: {  	v0 =	vadd.f32 v2, v0  }
0x153: {  	v2 =	vld [tilespmem:s29+$0x70]  }
0x154: {  	v0 =	vadd.f32 v3, v0  }
0x155: {  	v3 =	vld [tilespmem:s29+$0x80]  }
0x156: {  	v0 =	vadd.f32 v1, v0  }
0x157: {  	v1 =	vld [tilespmem:s29+$0x90]  }
0x158: {  	v0 =	vadd.f32 v2, v0  }
0x159: {  	v2 =	vld [tilespmem:s29+$0xA0]  }
0x15a: {  	v0 =	vadd.f32 v3, v0  }
0x15b: {  	v3 =	vld [tilespmem:s29+$0xB0]  }
0x15c: {  	v0 =	vadd.f32 v1, v0  }
0x15d: {  	v1 =	vld [tilespmem:s29+$0xC0]  }
0x15e: {  	v0 =	vadd.f32 v2, v0;
	_ =	sdelay $0x1  }
0x15f: {  	v0 =	vadd.f32 v3, v0;
	_ =	sdelay $0x1  }
.Ltmp1:
0x160: {  	v0 =	vadd.f32 v1, v0;
	(pc) =	sbr.rel @p0 .LBB2_5-.Ltmp1, $4  }
0x161: {  	s0 =	sshra.s32 s28, $0x2;
	s28 =	smov.u32 s30  }
0x162: {  	s29 =	sadd.s32 $0x1A0, s29;
	[tilespmem:s0+$0xDD00] =	vst v0  }
0x163: {  	v0 =	vld [tilespmem:s29+$0xFFFFFF40]  }
0x164: {  	s30 =	sadd.s32 $0x40, s30;
	v1 =	vld [tilespmem:s29+$0xFFFFFF30]  }
0x165: {  	_ = 	snop  }
0x166: {  	v2 =	vld [tilespmem:s29+$0xFFFFFF50];
	_ =	sdelay $0x1  }
0x167: {  	v3 =	vld [tilespmem:s29+$0xFFFFFF60]  }
0x168: {  	v0 =	vadd.f32 v0, v1  }
0x169: {  	v42 =	vld [tilespmem:s29+$0xFFFFFF70]  }
0x16a: {  	v0 =	vadd.f32 v2, v0  }
0x16b: {  	v43 =	vld [tilespmem:s29+$0xFFFFFF80]  }
0x16c: {  	v0 =	vadd.f32 v3, v0  }
0x16d: {  	v44 =	vld [tilespmem:s29+$0xFFFFFF90]  }
0x16e: {  	v0 =	vadd.f32 v42, v0  }
0x16f: {  	v45 =	vld [tilespmem:s29+$0xFFFFFFA0]  }
0x170: {  	v0 =	vadd.f32 v43, v0  }
0x171: {  	v46 =	vld [tilespmem:s29+$0xFFFFFFB0]  }
0x172: {  	v0 =	vadd.f32 v44, v0  }
0x173: {  	v47 =	vld [tilespmem:s29+$0xFFFFFFC0]  }
0x174: {  	v0 =	vadd.f32 v45, v0  }
0x175: {  	v48 =	vld [tilespmem:s29+$0xFFFFFFD0]  }
0x176: {  	v0 =	vadd.f32 v46, v0  }
0x177: {  	v49 =	vld [tilespmem:s29+$0xFFFFFFE0]  }
0x178: {  	v0 =	vadd.f32 v47, v0  }
0x179: {  	v50 =	vld [tilespmem:s29+$0xFFFFFFF0]  }
0x17a: {  	v0 =	vadd.f32 v48, v0  }
0x17b: {  	v51 =	vld [tilespmem:s29+$0x0]  }
0x17c: {  	v0 =	vadd.f32 v49, v0  }
0x17d: {  	v52 =	vld [tilespmem:s29+$0x10]  }
0x17e: {  	v0 =	vadd.f32 v50, v0  }
0x17f: {  	v53 =	vld [tilespmem:s29+$0x20]  }
0x180: {  	v0 =	vadd.f32 v51, v0  }
0x181: {  	v54 =	vld [tilespmem:s29+$0x30]  }
0x182: {  	v0 =	vadd.f32 v52, v0  }
0x183: {  	v55 =	vld [tilespmem:s29+$0x40]  }
0x184: {  	v0 =	vadd.f32 v53, v0  }
0x185: {  	v56 =	vld [tilespmem:s29+$0x50]  }
0x186: {  	v0 =	vadd.f32 v54, v0  }
0x187: {  	v57 =	vld [tilespmem:s29+$0x60]  }
0x188: {  	v0 =	vadd.f32 v55, v0  }
0x189: {  	v58 =	vld [tilespmem:s29+$0x70]  }
0x18a: {  	v0 =	vadd.f32 v56, v0  }
0x18b: {  	v59 =	vld [tilespmem:s29+$0x80]  }
0x18c: {  	v0 =	vadd.f32 v57, v0  }
0x18d: {  	v60 =	vld [tilespmem:s29+$0x90]  }
0x18e: {  	v0 =	vadd.f32 v58, v0  }
0x18f: {  	v61 =	vld [tilespmem:s29+$0xA0]  }
0x190: {  	v0 =	vadd.f32 v59, v0  }
0x191: {  	v62 =	vld [tilespmem:s29+$0xB0]  }
0x192: {  	v0 =	vadd.f32 v60, v0  }
0x193: {  	v63 =	vld [tilespmem:s29+$0xC0]  }
0x194: {  	v0 =	vadd.f32 v61, v0;
	_ =	sdelay $0x1  }
0x195: {  	v0 =	vadd.f32 v62, v0;
	_ =	sdelay $0x1  }
0x196: {  	s0 =	sshll.u32 s26, $0x7;
	s25 =	sadd.s32 $0x1, s25;
	v0 =	vadd.f32 v63, v0  }
0x197: {  	s31 =	sshra.s32 s28, $0x2;
	s0 =	sand.u32 $0x1FFFFF80, s0;
	p0 =	sne.s32 s25, $0x4  }
.Ltmp2:
0x198: {  	s0 =	sadd.s32 s2, s0;
	[tilespmem:s31+$0xDD00] =	vst v0;
	(pc) =	sbr.rel @p0 .LBB2_2-.Ltmp2, $4  }
0x199: {  	[hbm4b:s0+s3] =	stream.linear.scatter [tilespmem:s23], [sflag:$0x3], $0x400, $0x38;
	[tilespmem:$0xE100] =	vst v63  }
0x19a: {  	_ =	swait.ge [sflag:s11], $0x400  }
0x19b: {  	[sflag:s11] =	ssyncset.done $0x0  }
0x19c: {  	[sflag:s11] =	ssyncadd.s32 $0xFFFFFC00  }
0x19d: {  	s25 =	rddreg [dreg:$0x5]  }
0x19e: {  	s0 =	rddreg [dreg:$0x4];
	s25 =	sadd.s32 $0x1, s25  }
0x19f: {  	p0 =	sne.s32 s25, s0  }
.Ltmp3:
0x1a0: {  	_ = 	snop;
	(pc) =	sbr.rel @p0 .LBB2_1-.Ltmp3, $1  }
0x1a1: {  	_ =	sdelay $0x3  }
0x1a2: {  	_ =	sfence.sel $0x180000  }
0x1a3: {  	[bflag:$0x0] =	sbarrier.arrive $0xFFFF  }
0x1a4: {  	_ =	strace $0x90000047  }
0x1a5: {  	s0 =	stileid.u32;
	[bflag:$0x2] =	sbarrier.arrive $0xFFFF  }
0x1a6: {  	p0 =	sne.s32 s0, $0x0;
	s0 =	rddreg [dreg:$0x2]  }
0x1a7: {  	s0 =	sadd.s32 @!p0 $0x100000, s0  }
0x1a8: {  	[sflag:s0] =	ssyncadd.tile.s32 @!p0 $0x1;
	_ =	shalt  }
.Lfunc_end2:
_tile_overlayer_lowered:
.L_overlay_start_2:
0x1a9: {  	(tag) =	ssettag $0x2  }
0x1aa: {  	s0 =	rddreg [dreg:$0x0];
	s2 =	stileid.u32  }
0x1ab: {  	s1 =	rddreg [dreg:$0x1];
	p0 =	sne.s32 s2, $0x0  }
0x1ac: {  	s3 =	rddreg [dreg:$0x2];
	[bflag:$0x3] =	sbarrier.arrive $0xFFFF;
	s2 =	simm.s32 @!p0 $0x1C03  }
0x1ad: {  	[timem:s3], [sflag:s2] =	dma.local @!p0 [hbm:s0], s1  }
0x1ae: {  	s0 =	simm.s32 @!p0 $0x3  }
0x1af: {  	_ =	swait.ge @!p0 [sflag:s0], s1  }
0x1b0: {  	s1 =	ssub.s32 @!p0 $0x0, s1;
	[sflag:s0] =	ssyncset.done @!p0 $0x0  }
0x1b1: {  	[sflag:s0] =	ssyncadd.s32 @!p0 s1  }
0x1b2: {  	[bflag:$0x3] =	sbarrier.arrive $0xFFFF  }
0x1b3: {  	_ =	shalt  }

</sc_bundles>
